<compile_context>
chip_gen: v7x
topology: tpu7x:2x2x1
jax: 0.10.2.dev20260603
libtpu: 0.0.44.dev20260713+nightly
codegen_flags: <defaults>
</compile_context>

<pallas_src>
import functools

import jax
import jax.numpy as jnp
from jax import lax
from jax.experimental import pallas as pl
from jax.experimental.pallas import tpu as pltpu
from jax.experimental.pallas import tpu_sc as plsc

N = 10000
E = 320000
D = 128
G = 64
EPS = 0.1

NC = 2
NS = 16
DH = D // NC
EW = E // NS
K = 80
NCHUNK = EW // K
NR = N // 4
NACC = NR + NS

_mesh = plsc.VectorSubcoreMesh(core_axis_name="c", subcore_axis_name="s")


@functools.partial(
    pl.kernel,
    out_type=jax.ShapeDtypeStruct((NC, N), jnp.float32),
    mesh=_mesh,
    scratch_types=[
        pltpu.VMEM((K,), jnp.int32),
        pltpu.VMEM((K,), jnp.float32),
        pltpu.VMEM((N,), jnp.float32),
        pltpu.VMEM_SHARED((N,), jnp.float32),
    ],
)
def _deg_kernel(dst_hbm, out_hbm, idx_v, ones_v, stage_v, acc):
    cid = lax.axis_index("c")
    sid = lax.axis_index("s")

    def fill_ones(i, _):
        ones_v[pl.ds(i * 16, 16)] = jnp.full((16,), 1.0, jnp.float32)
        return 0

    lax.fori_loop(0, K // 16, fill_ones, 0)

    def fill_zero(i, _):
        stage_v[pl.ds(i * 16, 16)] = jnp.zeros((16,), jnp.float32)
        return 0

    lax.fori_loop(0, N // 16, fill_zero, 0)

    @pl.when(sid == 0)
    def _():
        pltpu.sync_copy(stage_v, acc)

    plsc.subcore_barrier()

    base = (cid * NS + sid) * (E // (NC * NS))

    def chunk(g, _):
        pltpu.sync_copy(dst_hbm.at[pl.ds(base + g * K, K)], idx_v)
        pltpu.sync_copy(ones_v, acc.at[idx_v], add=True)
        return 0

    lax.fori_loop(0, E // (NC * NS) // K, chunk, 0)
    plsc.subcore_barrier()

    @pl.when(sid == 0)
    def _():
        pltpu.sync_copy(acc, stage_v)
        pltpu.sync_copy(stage_v, out_hbm.at[cid])


@functools.partial(
    pl.kernel,
    out_type=jax.ShapeDtypeStruct((NC, NACC, D), jnp.float32),
    mesh=_mesh,
    scratch_types=[
        pltpu.VMEM((16,), jnp.int32),
        pltpu.VMEM((K,), jnp.int32),
        pltpu.VMEM((K,), jnp.int32),
        pltpu.VMEM((K,), jnp.int32),
        pltpu.VMEM((K, D), jnp.float32),
        pltpu.VMEM((K, D), jnp.float32),
        pltpu.VMEM((K, D), jnp.float32),
        pltpu.VMEM((K, D), jnp.float32),
        pltpu.VMEM_SHARED((NACC, D), jnp.float32),
        pltpu.SemaphoreType.DMA,
    ],
)
def _edge_kernel(a_hbm, b_hbm, c01_hbm, lsel_hbm, zero_hbm, dst_hbm,
                 src_hbm, out_hbm, lv, dsti, srci, dsts, ar, br, cr, tr, acc,
                 sem):
    cid = lax.axis_index("c")
    sid = lax.axis_index("s")

    pltpu.sync_copy(lsel_hbm, lv)
    lvv = lv[...]
    lsel = lvv[0]
    nhalf = lvv[1]

    @pl.when(sid == 0)
    def _():
        pltpu.sync_copy(zero_hbm, acc)

    plsc.subcore_barrier()

    base = sid * EW
    node0 = nhalf * (2 * NR) + cid * NR
    trash = NR + sid

    def chunk(g, _):
        e0 = base + g * K
        cpd = pltpu.async_copy(dst_hbm.at[pl.ds(e0, K)], dsti, sem)
        cps = pltpu.async_copy(src_hbm.at[pl.ds(e0, K)], srci, sem)
        cpd.wait()
        cps.wait()
        ga = pltpu.async_copy(a_hbm.at[dsti], ar, sem)
        gb = pltpu.async_copy(b_hbm.at[srci], br, sem)
        cpc = pltpu.async_copy(c01_hbm.at[lsel].at[pl.ds(e0, K)], cr, sem)

        def remap(m, _):
            sl = pl.ds(m * 16, 16)
            k = dsti[sl] - node0
            ok = (k >= 0) & (k < NR)
            dsts[sl] = jnp.where(ok, k, trash)
            return 0

        lax.fori_loop(0, K // 16, remap, 0)
        ga.wait()
        gb.wait()
        cpc.wait()

        def comp(r, _):
            for j in range(D // 16):
                sl = pl.ds(j * 16, 16)
                tr[r, sl] = jnp.maximum(ar[r, sl] + br[r, sl] + cr[r, sl],
                                        0.0)
            return 0

        lax.fori_loop(0, K, comp, 0)
        pltpu.sync_copy(tr, acc.at[dsts], add=True)
        return 0

    lax.fori_loop(0, NCHUNK, chunk, 0)
    plsc.subcore_barrier()

    @pl.when(sid == 0)
    def _():
        pltpu.sync_copy(acc, out_hbm.at[cid])


@functools.partial(
    pl.kernel,
    out_type=jax.ShapeDtypeStruct((NC, 4 * G, D), jnp.float32),
    mesh=_mesh,
    scratch_types=[
        pltpu.VMEM((K,), jnp.int32),
        pltpu.VMEM((K,), jnp.int32),
        pltpu.VMEM((K,), jnp.int32),
        pltpu.VMEM((K, D), jnp.float32),
        pltpu.VMEM((K, D), jnp.float32),
        pltpu.VMEM((K, DH), jnp.float32),
        pltpu.VMEM((K, D), jnp.float32),
        pltpu.VMEM_SHARED((4 * G, D), jnp.float32),
        pltpu.SemaphoreType.DMA,
    ],
)
def _edge_pool_kernel(a_hbm, b_hbm, c_hbm, dst_hbm, src_hbm, gidx_hbm,
                      zero_hbm, out_hbm, dsti, srci, gidx, ar, br, cr, tr,
                      acc, sem):
    cid = lax.axis_index("c")
    sid = lax.axis_index("s")

    @pl.when(sid == 0)
    def _():
        pltpu.sync_copy(zero_hbm, acc)

    def fill_zero(i, _):
        r = i // (DH // 16)
        j = i % (DH // 16)
        tr[r, pl.ds(DH + j * 16, 16)] = jnp.zeros((16,), jnp.float32)
        return 0

    lax.fori_loop(0, K * (DH // 16), fill_zero, 0)
    plsc.subcore_barrier()

    base = sid * EW
    gbase = (sid & 3) * G
    col0 = cid * DH

    def chunk(g, _):
        e0 = base + g * K
        cpd = pltpu.async_copy(dst_hbm.at[pl.ds(e0, K)], dsti, sem)
        cps = pltpu.async_copy(src_hbm.at[pl.ds(e0, K)], srci, sem)
        cpd.wait()
        cps.wait()
        ga = pltpu.async_copy(a_hbm.at[dsti], ar, sem)
        gb = pltpu.async_copy(b_hbm.at[srci], br, sem)
        cpc = pltpu.async_copy(c_hbm.at[cid].at[pl.ds(e0, K)], cr, sem)
        cpg = pltpu.async_copy(gidx_hbm.at[pl.ds(e0, K)], gidx, sem)
        ga.wait()
        gb.wait()
        cpc.wait()
        cpg.wait()

        def comp(r, _):
            for j in range(DH // 16):
                sl = pl.ds(j * 16, 16)
                sf = pl.ds(col0 + j * 16, 16)
                tr[r, sl] = jnp.maximum(ar[r, sf] + br[r, sf] + cr[r, sl],
                                        0.0)
            return 0

        lax.fori_loop(0, K, comp, 0)

        def gmap(m, _):
            sl = pl.ds(m * 16, 16)
            gidx[sl] = gidx[sl] + gbase
            return 0

        lax.fori_loop(0, K // 16, gmap, 0)
        pltpu.sync_copy(tr, acc.at[gidx], add=True)
        return 0

    lax.fori_loop(0, NCHUNK, chunk, 0)
    plsc.subcore_barrier()

    @pl.when(sid == 0)
    def _():
        pltpu.sync_copy(acc, out_hbm.at[cid])


def _t1_body(x_ref, wn1_ref, bn1_ref, wn2_ref, bn2_ref, we2_ref, be2_ref,
             wcs_ref, b1s_ref, wa_ref, wb_ref, batch_ref,
             h_ref, a_ref, b_ref, cs_ref, c0s_ref, starts_ref):
    t = jnp.maximum(x_ref[...] @ wn1_ref[...] + bn1_ref[...], 0.0)
    h = t @ wn2_ref[...] + bn2_ref[...]
    h_ref[...] = h
    oh = (lax.broadcasted_iota(jnp.int32, (G, N), 0) == batch_ref[...]).astype(
        jnp.float32)
    counts = oh @ jnp.ones((N, 1), jnp.float32)
    tri = (lax.broadcasted_iota(jnp.int32, (G, G), 0)
           > lax.broadcasted_iota(jnp.int32, (G, G), 1)).astype(jnp.float32)
    starts_ref[...] = (tri @ counts).astype(jnp.int32)
    cs_ref[...] = we2_ref[...] @ wcs_ref[...]
    c0s = be2_ref[...] @ wcs_ref[...] + b1s_ref[...]
    c0s_ref[...] = c0s
    a_ref[...] = h @ wa_ref[...] + c0s[:, 0:D]
    b_ref[...] = h @ wb_ref[...]


_t1_call = pl.pallas_call(
    _t1_body,
    out_shape=[
        jax.ShapeDtypeStruct((N, D), jnp.float32),
        jax.ShapeDtypeStruct((N, D), jnp.float32),
        jax.ShapeDtypeStruct((N, D), jnp.float32),
        jax.ShapeDtypeStruct((D, 3 * D), jnp.float32),
        jax.ShapeDtypeStruct((1, 3 * D), jnp.float32),
        jax.ShapeDtypeStruct((G, 1), jnp.int32),
    ],
)


EBLK = 4000


def _te_body(ea_ref, we1_ref, be1_ref, cs_ref, dst_ref, starts_ref,
             c01_ref, c2_ref, gidx_ref):
    t = jnp.maximum(ea_ref[...] @ we1_ref[...] + be1_ref[...], 0.0)
    cc = t @ cs_ref[...]
    for l in range(2):
        c01_ref[l] = cc[:, l * D:(l + 1) * D]
    c2_ref[0] = cc[:, 2 * D:2 * D + DH]
    c2_ref[1] = cc[:, 2 * D + DH:3 * D]
    ge = (dst_ref[0] >= starts_ref[...]).astype(jnp.int32)
    gidx_ref[0] = jnp.sum(ge, axis=0, keepdims=True) - 1


_te_call = pl.pallas_call(
    _te_body,
    grid=(E // EBLK,),
    in_specs=[
        pl.BlockSpec((EBLK, 16), lambda i: (i, 0)),
        pl.BlockSpec((16, D), lambda i: (0, 0)),
        pl.BlockSpec((1, D), lambda i: (0, 0)),
        pl.BlockSpec((D, 3 * D), lambda i: (0, 0)),
        pl.BlockSpec((1, 1, EBLK), lambda i: (i, 0, 0)),
        pl.BlockSpec((G, 1), lambda i: (0, 0)),
    ],
    out_specs=[
        pl.BlockSpec((2, EBLK, D), lambda i: (0, i, 0)),
        pl.BlockSpec((NC, EBLK, DH), lambda i: (0, i, 0)),
        pl.BlockSpec((1, 1, EBLK), lambda i: (i, 0, 0)),
    ],
    out_shape=[
        jax.ShapeDtypeStruct((2, E, D), jnp.float32),
        jax.ShapeDtypeStruct((NC, E, DH), jnp.float32),
        jax.ShapeDtypeStruct((E // EBLK, 1, EBLK), jnp.int32),
    ],
)


def _tpost_body(h_ref, sp_ref, sh_ref, deg_ref, w2_ref, b2_ref, wa_ref,
                c0_ref, wb_ref, hn_ref, a_ref, b_ref):
    s = jnp.concatenate(
        [sp_ref[0, 0:NR], sp_ref[1, 0:NR], sh_ref[0, 0:NR], sh_ref[1, 0:NR]],
        axis=0)
    aggr = s @ w2_ref[...] + deg_ref[...] * b2_ref[...]
    hn = jnp.maximum((2.0 + EPS) * h_ref[...] + aggr, 0.0)
    hn_ref[...] = hn
    a_ref[...] = hn @ wa_ref[...] + c0_ref[...]
    b_ref[...] = hn @ wb_ref[...]


_tpost_call = pl.pallas_call(
    _tpost_body,
    out_shape=[
        jax.ShapeDtypeStruct((N, D), jnp.float32),
        jax.ShapeDtypeStruct((N, D), jnp.float32),
        jax.ShapeDtypeStruct((N, D), jnp.float32),
    ],
)


def _tlast_body(h_ref, s_ref, deg_ref, w2_ref, b2_ref, batch_ref, out_ref):
    sp0 = jnp.sum(s_ref[0, :, 0:DH].reshape(4, G, DH), axis=0)
    sp1 = jnp.sum(s_ref[1, :, 0:DH].reshape(4, G, DH), axis=0)
    sp = jnp.concatenate([sp0, sp1], axis=-1)
    hf = (1.0 + EPS) * h_ref[...] + deg_ref[...] * b2_ref[...]
    oh = (lax.broadcasted_iota(jnp.int32, (G, N), 0) == batch_ref[...]).astype(
        jnp.float32)
    out_ref[...] = oh @ hf + sp @ w2_ref[...]


_tlast_call = pl.pallas_call(
    _tlast_body,
    out_shape=jax.ShapeDtypeStruct((G, D), jnp.float32),
)


def kernel(x, edge_attr, params, edge_index, batch):
    pn = params["init_node"]
    pe = params["init_edge"]
    convs = params["convs"]
    src = edge_index[0]
    dst = edge_index[1]

    wa = [p["W1"][0:D] for p in convs]
    wb = [p["W1"][D:2 * D] for p in convs]
    wcs = jnp.concatenate([p["W1"][2 * D:3 * D] for p in convs], axis=1)
    b1s = jnp.concatenate([p["b1"] for p in convs]).reshape(1, 3 * D)

    degs = _deg_kernel(dst)
    deg = (degs[0] + degs[1]).reshape(N, 1)

    h, a, b, cs, c0s, starts = _t1_call(
        x, pn["W1"], pn["b1"].reshape(1, D), pn["W2"], pn["b2"].reshape(1, D),
        pe["W2"], pe["b2"].reshape(1, D), wcs, b1s, wa[0], wb[0],
        batch.reshape(1, N))

    c01, c2, gidx = _te_call(edge_attr, pe["W1"], pe["b1"].reshape(1, D), cs,
                             dst.reshape(E // EBLK, 1, EBLK), starts)
    gidx = gidx.reshape(E)

    lsel_all = jnp.array(
        [[it >> 1, it & 1] + [0] * 14 for it in range(4)], jnp.int32)
    w2s = jnp.stack([convs[0]["W2"], convs[1]["W2"]])
    b2s = jnp.stack([convs[0]["b2"].reshape(1, D),
                     convs[1]["b2"].reshape(1, D)])
    was = jnp.stack([wa[1], wa[2]])
    wbs = jnp.stack([wb[1], wb[2]])
    c0n = jnp.stack([c0s[:, D:2 * D], c0s[:, 2 * D:3 * D]])
    zq = jnp.zeros((NACC, D), jnp.float32)

    nl = dst[0] * 0 + 4

    def cond(st):
        return st[0] < nl

    def body(st):
        it, hc, ac, bc, sprev = st
        l = it >> 1
        lsel = lax.dynamic_slice(lsel_all, (it, 0), (1, 16)).reshape(16)
        sh = _edge_kernel(ac, bc, c01, lsel, zq, dst, src)

        def do_post(op):
            hc_, ac_, bc_, sprev_, sh_ = op
            return _tpost_call(
                hc_, sprev_, sh_, deg,
                lax.dynamic_index_in_dim(w2s, l, keepdims=False),
                lax.dynamic_index_in_dim(b2s, l, keepdims=False),
                lax.dynamic_index_in_dim(was, l, keepdims=False),
                lax.dynamic_index_in_dim(c0n, l, keepdims=False),
                lax.dynamic_index_in_dim(wbs, l, keepdims=False))

        hn, an, bn = lax.cond(
            (it & 1) == 1, do_post, lambda op: (op[0], op[1], op[2]),
            (hc, ac, bc, sprev, sh))
        return (it + 1, hn, an, bn, sh)

    s0 = jnp.zeros((NC, NACC, D), jnp.float32)
    _, h, a, b, _ = lax.while_loop(
        cond, body, (jnp.int32(0), h, a, b, s0))

    zp = jnp.zeros((4 * G, D), jnp.float32)
    sp = _edge_pool_kernel(a, b, c2, dst, src, gidx, zp)
    out = _tlast_call(h, sp, deg, convs[2]["W2"],
                      convs[2]["b2"].reshape(1, D), batch.reshape(1, N))
    return out

# --- scband reference (transcript-rebuilt; emitter-appended) ---
"""Pipeline reference for scband-edge-conv-net-10033043603478 (READ-ONLY COPY).

The authoritative reference and input builder live on the scoring server;
editing this copy changes nothing except your own understanding.
"""

import jax, jax.numpy as jnp
import numpy as np

N = 10000
E = 320000
D_NODE = 128
D_EDGE = 16
H = 128
OUT = 128
L = 3
G = 64
EPS = 0.1


def _mlp_params(key, d_in, d_hid, d_out):
    k1, k2 = jax.random.split(key)
    s1 = 1.0 / np.sqrt(d_in)
    s2 = 1.0 / np.sqrt(d_hid)
    return {
        "W1": jax.random.uniform(k1, (d_in, d_hid), minval=-s1, maxval=s1, dtype=jnp.float32),
        "b1": jnp.zeros((d_hid,), dtype=jnp.float32),
        "W2": jax.random.uniform(k2, (d_hid, d_out), minval=-s2, maxval=s2, dtype=jnp.float32),
        "b2": jnp.zeros((d_out,), dtype=jnp.float32),
    }


def setup_inputs(seed: int = 0) -> dict:
    key = jax.random.key(seed)
    ks = jax.random.split(key, 8)
    x = jax.random.normal(ks[0], (N, D_NODE), dtype=jnp.float32)
    edge_index = jax.random.randint(ks[1], (2, E), 0, N, dtype=jnp.int32)
    edge_attr = jax.random.normal(ks[2], (E, D_EDGE), dtype=jnp.float32)
    batch = jnp.sort(jax.random.randint(ks[3], (N,), 0, G, dtype=jnp.int32))
    params = {
        "init_node": _mlp_params(ks[4], D_NODE, H, H),
        "init_edge": _mlp_params(ks[5], D_EDGE, H, H),
        "convs": [
            _mlp_params(jax.random.fold_in(ks[6], i), 3 * H, H, H if i < L - 1 else OUT)
            for i in range(L)
        ],
    }
    return {"x": x, "edge_attr": edge_attr, "params": params, "edge_index": edge_index, "batch": batch}


def _mlp(p, h):
    h = h @ p["W1"] + p["b1"]
    h = jax.nn.relu(h)
    return h @ p["W2"] + p["b2"]


def reference(x, edge_attr, params, edge_index, batch):
    src = edge_index[0]
    dst = edge_index[1]
    h = _mlp(params["init_node"], x)
    ea = _mlp(params["init_edge"], edge_attr)

    def conv(p, h):
        # message = nn(cat[x_dst, x_src, edge_attr]); sum-aggregate at dst; (1+eps)*x self term
        m = _mlp(p, jnp.concatenate([h[dst], h[src], ea], axis=-1))
        aggr = jax.ops.segment_sum(m, dst, num_segments=N)
        return (1.0 + EPS) * h + aggr

    for p in params["convs"][:-1]:
        h = h + conv(p, h)
        h = jax.nn.relu(h)
    h = conv(params["convs"][-1], h)
    # global_add_pool
    return jax.ops.segment_sum(h, batch, num_segments=G)

if __name__ == "__main__":
    import jax
    _d = setup_inputs()
    print(jax.jit(kernel)(*tuple(_d.values())))

</pallas_src>

<mosaic_0001>
#map = affine_map<(d0, d1) -> (0)>
#map1 = affine_map<(d0, d1) -> (0, 0)>
module attributes {stable_mosaic.version = 14 : i64} {
  func.func @_deg_kernel(%arg0: i32, %arg1: i32, %arg2: memref<320000xi32, #tpu.memory_space<hbm>>, %arg3: memref<2x10000xf32, #tpu.memory_space<hbm>>, %arg4: memref<80xi32, #tpu.memory_space<vmem>>, %arg5: memref<80xf32, #tpu.memory_space<vmem>>, %arg6: memref<10000xf32, #tpu.memory_space<vmem>>, %arg7: memref<10000xf32, #tpu.memory_space<vmem_shared>>) attributes {dimension_semantics = [#tpu.dimension_semantics<core_parallel>, #tpu.dimension_semantics<subcore_parallel>], iteration_bounds = array<i64: 2, 16>, scalar_prefetch = 0 : i64, scratch_operands = 4 : i64, tpu.core_type = #tpu.core_type<sc_vector_subcore>, window_params = [{transform_indices = #map}, {transform_indices = #map1}]} {
    %scan3A = arith.constant 0 : i32
    %scan3A_0 = arith.constant 0 : i32
    %scan3A_1 = arith.constant 5 : i32
    %scan3A_2 = arith.addi %scan3A_0, %scan3A_1 : i32
    %scan3A_3 = arith.constant 1 : i32
    %scan3A_4 = scf.for %scan3A_31 = %scan3A_0 to %scan3A_2 step %scan3A_3 iter_args(%scan3A_32 = %scan3A) -> (i32)  : i32 {
      %broadcast_in_dim3A = arith.constant 1.000000e+00 : f32
      %broadcast_in_dim3A_33 = vector.broadcast %broadcast_in_dim3A : f32 to vector<16xf32>
      %mul3A_34 = arith.constant 16 : i32
      %mul3A_35 = arith.muli %scan3A_31, %mul3A_34 : i32
      %swap3A = arith.index_cast %mul3A_35 : i32 to index
      %swap3A_36 = tpu.vector_load %arg5[%swap3A] {strides = array<i32>} : memref<80xf32, #tpu.memory_space<vmem>>, vector<16xf32>,
      %swap3A_37 = vector.shape_cast %swap3A_36 : vector<16xf32> to vector<16xf32>
      %swap3A_38 = vector.shape_cast %broadcast_in_dim3A_33 : vector<16xf32> to vector<16xf32>
      tpu.vector_store %arg5[%swap3A], %swap3A_38 {strides = array<i32>} : memref<80xf32, #tpu.memory_space<vmem>>, vector<16xf32>,
      %scan3A_39 = arith.constant 0 : i32
      scf.yield %scan3A_39 : i32
    }
    %scan3A_5 = arith.constant 5 : i32
    %scan3A_6 = arith.constant 0 : i32
    %scan3A_7 = arith.constant 0 : i32
    %scan3A_8 = arith.constant 625 : i32
    %scan3A_9 = arith.addi %scan3A_7, %scan3A_8 : i32
    %scan3A_10 = arith.constant 1 : i32
    %scan3A_11 = scf.for %scan3A_31 = %scan3A_7 to %scan3A_9 step %scan3A_10 iter_args(%scan3A_32 = %scan3A_6) -> (i32)  : i32 {
      %broadcast_in_dim3A = arith.constant 0.000000e+00 : f32
      %broadcast_in_dim3A_33 = vector.broadcast %broadcast_in_dim3A : f32 to vector<16xf32>
      %mul3A_34 = arith.constant 16 : i32
      %mul3A_35 = arith.muli %scan3A_31, %mul3A_34 : i32
      %swap3A = arith.index_cast %mul3A_35 : i32 to index
      %swap3A_36 = tpu.vector_load %arg6[%swap3A] {strides = array<i32>} : memref<10000xf32, #tpu.memory_space<vmem>>, vector<16xf32>,
      %swap3A_37 = vector.shape_cast %swap3A_36 : vector<16xf32> to vector<16xf32>
      %swap3A_38 = vector.shape_cast %broadcast_in_dim3A_33 : vector<16xf32> to vector<16xf32>
      tpu.vector_store %arg6[%swap3A], %swap3A_38 {strides = array<i32>} : memref<10000xf32, #tpu.memory_space<vmem>>, vector<16xf32>,
      %scan3A_39 = arith.constant 0 : i32
      scf.yield %scan3A_39 : i32
    }
    %scan3A_12 = arith.constant 625 : i32
    %eq3A = arith.constant 0 : i32
    %eq3A_13 = arith.cmpi eq, %arg1, %eq3A : i32
    %convert_element_type3A = arith.extui %eq3A_13 : i1 to i32
    %cond3A = arith.constant 0 : i32
    %cond3A_14 = arith.cmpi ne, %convert_element_type3A, %cond3A : i32
    scf.if %cond3A_14 {
      "tpu.region"() ({
        %run_scoped3A = tpu.sem_alloc : memref<!tpu.dma_semaphore, #tpu.memory_space<semaphore_mem>>
        tpu.enqueue_dma source(%arg6 : memref<10000xf32, #tpu.memory_space<vmem>>) target(%arg7 : memref<10000xf32, #tpu.memory_space<vmem_shared>>) target_semaphore(%run_scoped3A : memref<!tpu.dma_semaphore, #tpu.memory_space<semaphore_mem>>)
        tpu.wait_dma2 semaphore(%run_scoped3A : memref<!tpu.dma_semaphore, #tpu.memory_space<semaphore_mem>>) src(%arg6 : memref<10000xf32, #tpu.memory_space<vmem>>) dst(%arg7 : memref<10000xf32, #tpu.memory_space<vmem_shared>>)
        tpu.yield
      }) : () -> ()
    } else {
    }
    %barrier3A = arith.constant 0 : index
    tpu.barrier barrier_id(%barrier3A)
    %mul3A = arith.constant 16 : i32
    %mul3A_15 = arith.muli %arg0, %mul3A : i32
    %add3A = arith.addi %mul3A_15, %arg1 : i32
    %mul3A_16 = arith.constant 10000 : i32
    %mul3A_17 = arith.muli %add3A, %mul3A_16 : i32
    %scan3A_18 = arith.constant 0 : i32
    %scan3A_19 = arith.constant 0 : i32
    %scan3A_20 = arith.constant 125 : i32
    %scan3A_21 = arith.addi %scan3A_19, %scan3A_20 : i32
    %scan3A_22 = arith.constant 1 : i32
    %scan3A_23 = scf.for %scan3A_31 = %scan3A_19 to %scan3A_21 step %scan3A_22 iter_args(%scan3A_32 = %scan3A_18) -> (i32)  : i32 {
      %mul3A_33 = arith.constant 80 : i32
      %mul3A_34 = arith.muli %scan3A_31, %mul3A_33 : i32
      %add3A_35 = arith.addi %mul3A_17, %mul3A_34 : i32
      "tpu.region"() ({
        %run_scoped3A = tpu.sem_alloc : memref<!tpu.dma_semaphore, #tpu.memory_space<semaphore_mem>>
        %dma_start3A = tpu.memref_slice %arg2[%add3A_35] : memref<320000xi32, #tpu.memory_space<hbm>> -> memref<80xi32, #tpu.memory_space<hbm>>
        %dma_start3A_37 = tpu.memref_slice %arg2[%add3A_35] : memref<320000xi32, #tpu.memory_space<hbm>> -> memref<80xi32, #tpu.memory_space<hbm>>
        tpu.enqueue_dma source(%dma_start3A_37 : memref<80xi32, #tpu.memory_space<hbm>>) target(%arg4 : memref<80xi32, #tpu.memory_space<vmem>>) target_semaphore(%run_scoped3A : memref<!tpu.dma_semaphore, #tpu.memory_space<semaphore_mem>>)
        %dma_wait3A = tpu.memref_slice %arg2[%add3A_35] : memref<320000xi32, #tpu.memory_space<hbm>> -> memref<80xi32, #tpu.memory_space<hbm>>
        %dma_wait3A_38 = tpu.memref_slice %arg2[%add3A_35] : memref<320000xi32, #tpu.memory_space<hbm>> -> memref<80xi32, #tpu.memory_space<hbm>>
        tpu.wait_dma2 semaphore(%run_scoped3A : memref<!tpu.dma_semaphore, #tpu.memory_space<semaphore_mem>>) src(%dma_wait3A_38 : memref<80xi32, #tpu.memory_space<hbm>>) dst(%arg4 : memref<80xi32, #tpu.memory_space<vmem>>)
        tpu.yield
      }) : () -> ()
      "tpu.region"() ({
        %run_scoped3A = tpu.sem_alloc : memref<!tpu.dma_semaphore, #tpu.memory_space<semaphore_mem>>
        %dma_start3A = arith.constant 0 : i32
        %dma_start3A_37 = tpu.memref_slice %arg7[%dma_start3A] : memref<10000xf32, #tpu.memory_space<vmem_shared>> -> memref<10000xf32, #tpu.memory_space<vmem_shared>>
        tpu.enqueue_indirect_dma source(%arg5 : memref<80xf32, #tpu.memory_space<vmem>>) target(%dma_start3A_37 : memref<10000xf32, #tpu.memory_space<vmem_shared>>) offsets(%arg4 : memref<80xi32, #tpu.memory_space<vmem>>) semaphore(%run_scoped3A : memref<!tpu.dma_semaphore, #tpu.memory_space<semaphore_mem>>) {add = true}
        %dma_wait3A = arith.constant 0 : i32
        %dma_wait3A_38 = tpu.memref_slice %arg7[%dma_wait3A] : memref<10000xf32, #tpu.memory_space<vmem_shared>> -> memref<10000xf32, #tpu.memory_space<vmem_shared>>
        tpu.wait_indirect_dma semaphore(%run_scoped3A : memref<!tpu.dma_semaphore, #tpu.memory_space<semaphore_mem>>) src(%arg5 : memref<80xf32, #tpu.memory_space<vmem>>) dst(%dma_wait3A_38 : memref<10000xf32, #tpu.memory_space<vmem_shared>>)
        tpu.yield
      }) : () -> ()
      %scan3A_36 = arith.constant 0 : i32
      scf.yield %scan3A_36 : i32
    }
    %scan3A_24 = arith.constant 125 : i32
    %barrier3A_25 = arith.constant 0 : index
    tpu.barrier barrier_id(%barrier3A_25)
    %eq3A_26 = arith.constant 0 : i32
    %eq3A_27 = arith.cmpi eq, %arg1, %eq3A_26 : i32
    %convert_element_type3A_28 = arith.extui %eq3A_27 : i1 to i32
    %cond3A_29 = arith.constant 0 : i32
    %cond3A_30 = arith.cmpi ne, %convert_element_type3A_28, %cond3A_29 : i32
    scf.if %cond3A_30 {
      "tpu.region"() ({
        %run_scoped3A = tpu.sem_alloc : memref<!tpu.dma_semaphore, #tpu.memory_space<semaphore_mem>>
        tpu.enqueue_dma source(%arg7 : memref<10000xf32, #tpu.memory_space<vmem_shared>>) target(%arg6 : memref<10000xf32, #tpu.memory_space<vmem>>) target_semaphore(%run_scoped3A : memref<!tpu.dma_semaphore, #tpu.memory_space<semaphore_mem>>)
        tpu.wait_dma2 semaphore(%run_scoped3A : memref<!tpu.dma_semaphore, #tpu.memory_space<semaphore_mem>>) src(%arg7 : memref<10000xf32, #tpu.memory_space<vmem_shared>>) dst(%arg6 : memref<10000xf32, #tpu.memory_space<vmem>>)
        tpu.yield
      }) : () -> ()
      "tpu.region"() ({
        %run_scoped3A = tpu.sem_alloc : memref<!tpu.dma_semaphore, #tpu.memory_space<semaphore_mem>>
        %dma_start3A = arith.constant 0 : i32
        %dma_start3A_31 = tpu.memref_slice %arg3[%arg0, %dma_start3A] : memref<2x10000xf32, #tpu.memory_space<hbm>> -> memref<1x10000xf32, #tpu.memory_space<hbm>>
        %dma_start3A_32 = tpu.memref_squeeze %dma_start3A_31 : memref<1x10000xf32, #tpu.memory_space<hbm>> -> memref<10000xf32, #tpu.memory_space<hbm>>
        %dma_start3A_33 = arith.constant 0 : i32
        %dma_start3A_34 = tpu.memref_slice %arg3[%arg0, %dma_start3A_33] : memref<2x10000xf32, #tpu.memory_space<hbm>> -> memref<1x10000xf32, #tpu.memory_space<hbm>>
        %dma_start3A_35 = tpu.memref_squeeze %dma_start3A_34 : memref<1x10000xf32, #tpu.memory_space<hbm>> -> memref<10000xf32, #tpu.memory_space<hbm>>
        tpu.enqueue_dma source(%arg6 : memref<10000xf32, #tpu.memory_space<vmem>>) target(%dma_start3A_35 : memref<10000xf32, #tpu.memory_space<hbm>>) target_semaphore(%run_scoped3A : memref<!tpu.dma_semaphore, #tpu.memory_space<semaphore_mem>>)
        %dma_wait3A = arith.constant 0 : i32
        %dma_wait3A_36 = tpu.memref_slice %arg3[%arg0, %dma_wait3A] : memref<2x10000xf32, #tpu.memory_space<hbm>> -> memref<1x10000xf32, #tpu.memory_space<hbm>>
        %dma_wait3A_37 = tpu.memref_squeeze %dma_wait3A_36 : memref<1x10000xf32, #tpu.memory_space<hbm>> -> memref<10000xf32, #tpu.memory_space<hbm>>
        %dma_wait3A_38 = arith.constant 0 : i32
        %dma_wait3A_39 = tpu.memref_slice %arg3[%arg0, %dma_wait3A_38] : memref<2x10000xf32, #tpu.memory_space<hbm>> -> memref<1x10000xf32, #tpu.memory_space<hbm>>
        %dma_wait3A_40 = tpu.memref_squeeze %dma_wait3A_39 : memref<1x10000xf32, #tpu.memory_space<hbm>> -> memref<10000xf32, #tpu.memory_space<hbm>>
        tpu.wait_dma2 semaphore(%run_scoped3A : memref<!tpu.dma_semaphore, #tpu.memory_space<semaphore_mem>>) src(%arg6 : memref<10000xf32, #tpu.memory_space<vmem>>) dst(%dma_wait3A_40 : memref<10000xf32, #tpu.memory_space<hbm>>)
        tpu.yield
      }) : () -> ()
    } else {
    }
    return
  }
}

#map = affine_map<(d0, d1) -> (0, 0)>
#map1 = affine_map<(d0, d1) -> (0, 0, 0)>
#map2 = affine_map<(d0, d1) -> (0)>
module attributes {stable_mosaic.version = 14 : i64} {
  func.func @_edge_kernel(%arg0: i32, %arg1: i32, %arg2: memref<10000x128xf32, #tpu.memory_space<hbm>>, %arg3: memref<10000x128xf32, #tpu.memory_space<hbm>>, %arg4: memref<2x320000x128xf32, #tpu.memory_space<hbm>>, %arg5: memref<16xi32, #tpu.memory_space<hbm>>, %arg6: memref<2516x128xf32, #tpu.memory_space<hbm>>, %arg7: memref<320000xi32, #tpu.memory_space<hbm>>, %arg8: memref<320000xi32, #tpu.memory_space<hbm>>, %arg9: memref<2x2516x128xf32, #tpu.memory_space<hbm>>, %arg10: memref<16xi32, #tpu.memory_space<vmem>>, %arg11: memref<80xi32, #tpu.memory_space<vmem>>, %arg12: memref<80xi32, #tpu.memory_space<vmem>>, %arg13: memref<80xi32, #tpu.memory_space<vmem>>, %arg14: memref<80x128xf32, #tpu.memory_space<vmem>>, %arg15: memref<80x128xf32, #tpu.memory_space<vmem>>, %arg16: memref<80x128xf32, #tpu.memory_space<vmem>>, %arg17: memref<80x128xf32, #tpu.memory_space<vmem>>, %arg18: memref<2516x128xf32, #tpu.memory_space<vmem_shared>>, %arg19: memref<!tpu.dma_semaphore, #tpu.memory_space<semaphore_mem>>) attributes {dimension_semantics = [#tpu.dimension_semantics<core_parallel>, #tpu.dimension_semantics<subcore_parallel>], iteration_bounds = array<i64: 2, 16>, scalar_prefetch = 0 : i64, scratch_operands = 10 : i64, tpu.core_type = #tpu.core_type<sc_vector_subcore>, window_params = [{transform_indices = #map}, {transform_indices = #map}, {transform_indices = #map1}, {transform_indices = #map2}, {transform_indices = #map}, {transform_indices = #map2}, {transform_indices = #map2}, {transform_indices = #map1}]} {
    "tpu.region"() ({
      %run_scoped3A = tpu.sem_alloc : memref<!tpu.dma_semaphore, #tpu.memory_space<semaphore_mem>>
      tpu.enqueue_dma source(%arg5 : memref<16xi32, #tpu.memory_space<hbm>>) target(%arg10 : memref<16xi32, #tpu.memory_space<vmem>>) target_semaphore(%run_scoped3A : memref<!tpu.dma_semaphore, #tpu.memory_space<semaphore_mem>>)
      tpu.wait_dma2 semaphore(%run_scoped3A : memref<!tpu.dma_semaphore, #tpu.memory_space<semaphore_mem>>) src(%arg5 : memref<16xi32, #tpu.memory_space<hbm>>) dst(%arg10 : memref<16xi32, #tpu.memory_space<vmem>>)
      tpu.yield
    }) : () -> ()
    %get3A = arith.constant 0 : index
    %get3A_0 = tpu.vector_load %arg10[%get3A] {strides = array<i32>} : memref<16xi32, #tpu.memory_space<vmem>>, vector<16xi32>,
    %get3A_1 = vector.shape_cast %get3A_0 : vector<16xi32> to vector<16xi32>
    %slice3A = vector.extract_strided_slice %get3A_1 {offsets = [0], sizes = [1], strides = [1]} : vector<16xi32> to vector<1xi32>
    %squeeze3A = vector.extract %slice3A[0] : i32 from vector<1xi32>
    %slice3A_2 = vector.extract_strided_slice %get3A_1 {offsets = [1], sizes = [1], strides = [1]} : vector<16xi32> to vector<1xi32>
    %squeeze3A_3 = vector.extract %slice3A_2[0] : i32 from vector<1xi32>
    %eq3A = arith.constant 0 : i32
    %eq3A_4 = arith.cmpi eq, %arg1, %eq3A : i32
    %convert_element_type3A = arith.extui %eq3A_4 : i1 to i32
    %cond3A = arith.constant 0 : i32
    %cond3A_5 = arith.cmpi ne, %convert_element_type3A, %cond3A : i32
    scf.if %cond3A_5 {
      "tpu.region"() ({
        %run_scoped3A = tpu.sem_alloc : memref<!tpu.dma_semaphore, #tpu.memory_space<semaphore_mem>>
        tpu.enqueue_dma source(%arg6 : memref<2516x128xf32, #tpu.memory_space<hbm>>) target(%arg18 : memref<2516x128xf32, #tpu.memory_space<vmem_shared>>) target_semaphore(%run_scoped3A : memref<!tpu.dma_semaphore, #tpu.memory_space<semaphore_mem>>)
        tpu.wait_dma2 semaphore(%run_scoped3A : memref<!tpu.dma_semaphore, #tpu.memory_space<semaphore_mem>>) src(%arg6 : memref<2516x128xf32, #tpu.memory_space<hbm>>) dst(%arg18 : memref<2516x128xf32, #tpu.memory_space<vmem_shared>>)
        tpu.yield
      }) : () -> ()
    } else {
    }
    %barrier3A = arith.constant 0 : index
    tpu.barrier barrier_id(%barrier3A)
    %mul3A = arith.constant 20000 : i32
    %mul3A_6 = arith.muli %arg1, %mul3A : i32
    %mul3A_7 = arith.constant 5000 : i32
    %mul3A_8 = arith.muli %squeeze3A_3, %mul3A_7 : i32
    %mul3A_9 = arith.constant 2500 : i32
    %mul3A_10 = arith.muli %arg0, %mul3A_9 : i32
    %add3A = arith.addi %mul3A_8, %mul3A_10 : i32
    %add3A_11 = arith.constant 2500 : i32
    %add3A_12 = arith.addi %add3A_11, %arg1 : i32
    %scan3A = arith.constant 0 : i32
    %scan3A_13 = arith.constant 0 : i32
    %scan3A_14 = arith.constant 250 : i32
    %scan3A_15 = arith.addi %scan3A_13, %scan3A_14 : i32
    %scan3A_16 = arith.constant 1 : i32
    %scan3A_17 = scf.for %scan3A_25 = %scan3A_13 to %scan3A_15 step %scan3A_16 iter_args(%scan3A_26 = %scan3A) -> (i32)  : i32 {
      %mul3A_27 = arith.constant 80 : i32
      %mul3A_28 = arith.muli %scan3A_25, %mul3A_27 : i32
      %add3A_29 = arith.addi %mul3A_6, %mul3A_28 : i32
      %dma_start3A = tpu.memref_slice %arg7[%add3A_29] : memref<320000xi32, #tpu.memory_space<hbm>> -> memref<80xi32, #tpu.memory_space<hbm>>
      %dma_start3A_30 = tpu.memref_slice %arg7[%add3A_29] : memref<320000xi32, #tpu.memory_space<hbm>> -> memref<80xi32, #tpu.memory_space<hbm>>
      tpu.enqueue_dma source(%dma_start3A_30 : memref<80xi32, #tpu.memory_space<hbm>>) target(%arg11 : memref<80xi32, #tpu.memory_space<vmem>>) target_semaphore(%arg19 : memref<!tpu.dma_semaphore, #tpu.memory_space<semaphore_mem>>)
      %dma_start3A_31 = tpu.memref_slice %arg8[%add3A_29] : memref<320000xi32, #tpu.memory_space<hbm>> -> memref<80xi32, #tpu.memory_space<hbm>>
      %dma_start3A_32 = tpu.memref_slice %arg8[%add3A_29] : memref<320000xi32, #tpu.memory_space<hbm>> -> memref<80xi32, #tpu.memory_space<hbm>>
      tpu.enqueue_dma source(%dma_start3A_32 : memref<80xi32, #tpu.memory_space<hbm>>) target(%arg12 : memref<80xi32, #tpu.memory_space<vmem>>) target_semaphore(%arg19 : memref<!tpu.dma_semaphore, #tpu.memory_space<semaphore_mem>>)
      %dma_wait3A = tpu.memref_slice %arg7[%add3A_29] : memref<320000xi32, #tpu.memory_space<hbm>> -> memref<80xi32, #tpu.memory_space<hbm>>
      %dma_wait3A_33 = tpu.memref_slice %arg7[%add3A_29] : memref<320000xi32, #tpu.memory_space<hbm>> -> memref<80xi32, #tpu.memory_space<hbm>>
      tpu.wait_dma2 semaphore(%arg19 : memref<!tpu.dma_semaphore, #tpu.memory_space<semaphore_mem>>) src(%dma_wait3A_33 : memref<80xi32, #tpu.memory_space<hbm>>) dst(%arg11 : memref<80xi32, #tpu.memory_space<vmem>>)
      %dma_wait3A_34 = tpu.memref_slice %arg8[%add3A_29] : memref<320000xi32, #tpu.memory_space<hbm>> -> memref<80xi32, #tpu.memory_space<hbm>>
      %dma_wait3A_35 = tpu.memref_slice %arg8[%add3A_29] : memref<320000xi32, #tpu.memory_space<hbm>> -> memref<80xi32, #tpu.memory_space<hbm>>
      tpu.wait_dma2 semaphore(%arg19 : memref<!tpu.dma_semaphore, #tpu.memory_space<semaphore_mem>>) src(%dma_wait3A_35 : memref<80xi32, #tpu.memory_space<hbm>>) dst(%arg12 : memref<80xi32, #tpu.memory_space<vmem>>)
      %dma_start3A_36 = arith.constant 0 : i32
      %dma_start3A_37 = arith.constant 0 : i32
      %dma_start3A_38 = tpu.memref_slice %arg2[%dma_start3A_36, %dma_start3A_37] : memref<10000x128xf32, #tpu.memory_space<hbm>> -> memref<10000x128xf32, #tpu.memory_space<hbm>>
      tpu.enqueue_indirect_dma source(%dma_start3A_38 : memref<10000x128xf32, #tpu.memory_space<hbm>>) target(%arg14 : memref<80x128xf32, #tpu.memory_space<vmem>>) offsets(%arg11 : memref<80xi32, #tpu.memory_space<vmem>>) semaphore(%arg19 : memref<!tpu.dma_semaphore, #tpu.memory_space<semaphore_mem>>)
      %dma_start3A_39 = arith.constant 0 : i32
      %dma_start3A_40 = arith.constant 0 : i32
      %dma_start3A_41 = tpu.memref_slice %arg3[%dma_start3A_39, %dma_start3A_40] : memref<10000x128xf32, #tpu.memory_space<hbm>> -> memref<10000x128xf32, #tpu.memory_space<hbm>>
      tpu.enqueue_indirect_dma source(%dma_start3A_41 : memref<10000x128xf32, #tpu.memory_space<hbm>>) target(%arg15 : memref<80x128xf32, #tpu.memory_space<vmem>>) offsets(%arg12 : memref<80xi32, #tpu.memory_space<vmem>>) semaphore(%arg19 : memref<!tpu.dma_semaphore, #tpu.memory_space<semaphore_mem>>)
      %dma_start3A_42 = arith.constant 0 : i32
      %dma_start3A_43 = arith.constant 0 : i32
      %dma_start3A_44 = tpu.memref_slice %arg4[%squeeze3A, %dma_start3A_42, %dma_start3A_43] : memref<2x320000x128xf32, #tpu.memory_space<hbm>> -> memref<1x320000x128xf32, #tpu.memory_space<hbm>>
      %dma_start3A_45 = tpu.memref_squeeze %dma_start3A_44 : memref<1x320000x128xf32, #tpu.memory_space<hbm>> -> memref<320000x128xf32, #tpu.memory_space<hbm>>
      %dma_start3A_46 = arith.constant 0 : i32
      %dma_start3A_47 = tpu.memref_slice %dma_start3A_45[%add3A_29, %dma_start3A_46] : memref<320000x128xf32, #tpu.memory_space<hbm>> -> memref<80x128xf32, #tpu.memory_space<hbm>>
      %dma_start3A_48 = arith.constant 0 : i32
      %dma_start3A_49 = arith.constant 0 : i32
      %dma_start3A_50 = tpu.memref_slice %arg4[%squeeze3A, %dma_start3A_48, %dma_start3A_49] : memref<2x320000x128xf32, #tpu.memory_space<hbm>> -> memref<1x320000x128xf32, #tpu.memory_space<hbm>>
      %dma_start3A_51 = tpu.memref_squeeze %dma_start3A_50 : memref<1x320000x128xf32, #tpu.memory_space<hbm>> -> memref<320000x128xf32, #tpu.memory_space<hbm>>
      %dma_start3A_52 = arith.constant 0 : i32
      %dma_start3A_53 = tpu.memref_slice %dma_start3A_51[%add3A_29, %dma_start3A_52] : memref<320000x128xf32, #tpu.memory_space<hbm>> -> memref<80x128xf32, #tpu.memory_space<hbm>>
      tpu.enqueue_dma source(%dma_start3A_53 : memref<80x128xf32, #tpu.memory_space<hbm>>) target(%arg16 : memref<80x128xf32, #tpu.memory_space<vmem>>) target_semaphore(%arg19 : memref<!tpu.dma_semaphore, #tpu.memory_space<semaphore_mem>>)
      %scan3A_54 = arith.constant 0 : i32
      %scan3A_55 = arith.constant 0 : i32
      %scan3A_56 = arith.constant 5 : i32
      %scan3A_57 = arith.addi %scan3A_55, %scan3A_56 : i32
      %scan3A_58 = arith.constant 1 : i32
      %scan3A_59 = scf.for %scan3A_87 = %scan3A_55 to %scan3A_57 step %scan3A_58 iter_args(%scan3A_88 = %scan3A_54) -> (i32)  : i32 {
        %mul3A_89 = arith.constant 16 : i32
        %mul3A_90 = arith.muli %scan3A_87, %mul3A_89 : i32
        %get3A_91 = arith.index_cast %mul3A_90 : i32 to index
        %get3A_92 = tpu.vector_load %arg11[%get3A_91] {strides = array<i32>} : memref<80xi32, #tpu.memory_space<vmem>>, vector<16xi32>,
        %get3A_93 = vector.shape_cast %get3A_92 : vector<16xi32> to vector<16xi32>
        %sub3A = vector.broadcast %add3A : i32 to vector<16xi32>
        %sub3A_94 = arith.subi %get3A_93, %sub3A : vector<16xi32>
        %ge3A = arith.constant 0 : i32
        %ge3A_95 = vector.broadcast %ge3A : i32 to vector<16xi32>
        %ge3A_96 = arith.cmpi sge, %sub3A_94, %ge3A_95 : vector<16xi32>
        %lt3A = arith.constant 2500 : i32
        %lt3A_97 = vector.broadcast %lt3A : i32 to vector<16xi32>
        %lt3A_98 = arith.cmpi slt, %sub3A_94, %lt3A_97 : vector<16xi32>
        %and3A = arith.andi %ge3A_96, %lt3A_98 : vector<16xi1>
        %broadcast_in_dim3A = vector.broadcast %add3A_12 : i32 to vector<16xi32>
        %select_n3A = arith.select %and3A, %sub3A_94, %broadcast_in_dim3A : vector<16xi1>, vector<16xi32>
        %swap3A = arith.index_cast %mul3A_90 : i32 to index
        %swap3A_99 = tpu.vector_load %arg13[%swap3A] {strides = array<i32>} : memref<80xi32, #tpu.memory_space<vmem>>, vector<16xi32>,
        %swap3A_100 = vector.shape_cast %swap3A_99 : vector<16xi32> to vector<16xi32>
        %swap3A_101 = vector.shape_cast %select_n3A : vector<16xi32> to vector<16xi32>
        tpu.vector_store %arg13[%swap3A], %swap3A_101 {strides = array<i32>} : memref<80xi32, #tpu.memory_space<vmem>>, vector<16xi32>,
        %scan3A_102 = arith.constant 0 : i32
        scf.yield %scan3A_102 : i32
      }
      %scan3A_60 = arith.constant 5 : i32
      %dma_wait3A_61 = arith.constant 0 : i32
      %dma_wait3A_62 = arith.constant 0 : i32
      %dma_wait3A_63 = tpu.memref_slice %arg2[%dma_wait3A_61, %dma_wait3A_62] : memref<10000x128xf32, #tpu.memory_space<hbm>> -> memref<10000x128xf32, #tpu.memory_space<hbm>>
      tpu.wait_indirect_dma semaphore(%arg19 : memref<!tpu.dma_semaphore, #tpu.memory_space<semaphore_mem>>) src(%dma_wait3A_63 : memref<10000x128xf32, #tpu.memory_space<hbm>>) dst(%arg14 : memref<80x128xf32, #tpu.memory_space<vmem>>)
      %dma_wait3A_64 = arith.constant 0 : i32
      %dma_wait3A_65 = arith.constant 0 : i32
      %dma_wait3A_66 = tpu.memref_slice %arg3[%dma_wait3A_64, %dma_wait3A_65] : memref<10000x128xf32, #tpu.memory_space<hbm>> -> memref<10000x128xf32, #tpu.memory_space<hbm>>
      tpu.wait_indirect_dma semaphore(%arg19 : memref<!tpu.dma_semaphore, #tpu.memory_space<semaphore_mem>>) src(%dma_wait3A_66 : memref<10000x128xf32, #tpu.memory_space<hbm>>) dst(%arg15 : memref<80x128xf32, #tpu.memory_space<vmem>>)
      %dma_wait3A_67 = arith.constant 0 : i32
      %dma_wait3A_68 = arith.constant 0 : i32
      %dma_wait3A_69 = tpu.memref_slice %arg4[%squeeze3A, %dma_wait3A_67, %dma_wait3A_68] : memref<2x320000x128xf32, #tpu.memory_space<hbm>> -> memref<1x320000x128xf32, #tpu.memory_space<hbm>>
      %dma_wait3A_70 = tpu.memref_squeeze %dma_wait3A_69 : memref<1x320000x128xf32, #tpu.memory_space<hbm>> -> memref<320000x128xf32, #tpu.memory_space<hbm>>
      %dma_wait3A_71 = arith.constant 0 : i32
      %dma_wait3A_72 = tpu.memref_slice %dma_wait3A_70[%add3A_29, %dma_wait3A_71] : memref<320000x128xf32, #tpu.memory_space<hbm>> -> memref<80x128xf32, #tpu.memory_space<hbm>>
      %dma_wait3A_73 = arith.constant 0 : i32
      %dma_wait3A_74 = arith.constant 0 : i32
      %dma_wait3A_75 = tpu.memref_slice %arg4[%squeeze3A, %dma_wait3A_73, %dma_wait3A_74] : memref<2x320000x128xf32, #tpu.memory_space<hbm>> -> memref<1x320000x128xf32, #tpu.memory_space<hbm>>
      %dma_wait3A_76 = tpu.memref_squeeze %dma_wait3A_75 : memref<1x320000x128xf32, #tpu.memory_space<hbm>> -> memref<320000x128xf32, #tpu.memory_space<hbm>>
      %dma_wait3A_77 = arith.constant 0 : i32
      %dma_wait3A_78 = tpu.memref_slice %dma_wait3A_76[%add3A_29, %dma_wait3A_77] : memref<320000x128xf32, #tpu.memory_space<hbm>> -> memref<80x128xf32, #tpu.memory_space<hbm>>
      tpu.wait_dma2 semaphore(%arg19 : memref<!tpu.dma_semaphore, #tpu.memory_space<semaphore_mem>>) src(%dma_wait3A_78 : memref<80x128xf32, #tpu.memory_space<hbm>>) dst(%arg16 : memref<80x128xf32, #tpu.memory_space<vmem>>)
      %scan3A_79 = arith.constant 0 : i32
      %scan3A_80 = arith.constant 0 : i32
      %scan3A_81 = arith.constant 80 : i32
      %scan3A_82 = arith.addi %scan3A_80, %scan3A_81 : i32
      %scan3A_83 = arith.constant 1 : i32
      %scan3A_84 = scf.for %scan3A_87 = %scan3A_80 to %scan3A_82 step %scan3A_83 iter_args(%scan3A_88 = %scan3A_79) -> (i32)  : i32 {
        %get3A_89 = arith.index_cast %scan3A_87 : i32 to index
        %get3A_90 = arith.constant 0 : index
        %get3A_91 = tpu.vector_load %arg14[%get3A_89, %get3A_90] {strides = array<i32>} : memref<80x128xf32, #tpu.memory_space<vmem>>, vector<1x16xf32>,
        %get3A_92 = vector.shape_cast %get3A_91 : vector<1x16xf32> to vector<16xf32>
        %get3A_93 = arith.index_cast %scan3A_87 : i32 to index
        %get3A_94 = arith.constant 0 : index
        %get3A_95 = tpu.vector_load %arg15[%get3A_93, %get3A_94] {strides = array<i32>} : memref<80x128xf32, #tpu.memory_space<vmem>>, vector<1x16xf32>,
        %get3A_96 = vector.shape_cast %get3A_95 : vector<1x16xf32> to vector<16xf32>
        %add3A_97 = arith.addf %get3A_92, %get3A_96 : vector<16xf32>
        %get3A_98 = arith.index_cast %scan3A_87 : i32 to index
        %get3A_99 = arith.constant 0 : index
        %get3A_100 = tpu.vector_load %arg16[%get3A_98, %get3A_99] {strides = array<i32>} : memref<80x128xf32, #tpu.memory_space<vmem>>, vector<1x16xf32>,
        %get3A_101 = vector.shape_cast %get3A_100 : vector<1x16xf32> to vector<16xf32>
        %add3A_102 = arith.addf %add3A_97, %get3A_101 : vector<16xf32>
        %max3A = arith.constant 0.000000e+00 : f32
        %max3A_103 = vector.broadcast %max3A : f32 to vector<16xf32>
        %max3A_104 = arith.maximumf %add3A_102, %max3A_103 : vector<16xf32>
        %swap3A = arith.index_cast %scan3A_87 : i32 to index
        %swap3A_105 = arith.constant 0 : index
        %swap3A_106 = tpu.vector_load %arg17[%swap3A, %swap3A_105] {strides = array<i32>} : memref<80x128xf32, #tpu.memory_space<vmem>>, vector<1x16xf32>,
        %swap3A_107 = vector.shape_cast %swap3A_106 : vector<1x16xf32> to vector<16xf32>
        %swap3A_108 = vector.shape_cast %max3A_104 : vector<16xf32> to vector<1x16xf32>
        tpu.vector_store %arg17[%swap3A, %swap3A_105], %swap3A_108 {strides = array<i32>} : memref<80x128xf32, #tpu.memory_space<vmem>>, vector<1x16xf32>,
        %get3A_109 = arith.index_cast %scan3A_87 : i32 to index
        %get3A_110 = arith.constant 16 : index
        %get3A_111 = tpu.vector_load %arg14[%get3A_109, %get3A_110] {strides = array<i32>} : memref<80x128xf32, #tpu.memory_space<vmem>>, vector<1x16xf32>,
        %get3A_112 = vector.shape_cast %get3A_111 : vector<1x16xf32> to vector<16xf32>
        %get3A_113 = arith.index_cast %scan3A_87 : i32 to index
        %get3A_114 = arith.constant 16 : index
        %get3A_115 = tpu.vector_load %arg15[%get3A_113, %get3A_114] {strides = array<i32>} : memref<80x128xf32, #tpu.memory_space<vmem>>, vector<1x16xf32>,
        %get3A_116 = vector.shape_cast %get3A_115 : vector<1x16xf32> to vector<16xf32>
        %add3A_117 = arith.addf %get3A_112, %get3A_116 : vector<16xf32>
        %get3A_118 = arith.index_cast %scan3A_87 : i32 to index
        %get3A_119 = arith.constant 16 : index
        %get3A_120 = tpu.vector_load %arg16[%get3A_118, %get3A_119] {strides = array<i32>} : memref<80x128xf32, #tpu.memory_space<vmem>>, vector<1x16xf32>,
        %get3A_121 = vector.shape_cast %get3A_120 : vector<1x16xf32> to vector<16xf32>
        %add3A_122 = arith.addf %add3A_117, %get3A_121 : vector<16xf32>
        %max3A_123 = arith.constant 0.000000e+00 : f32
        %max3A_124 = vector.broadcast %max3A_123 : f32 to vector<16xf32>
        %max3A_125 = arith.maximumf %add3A_122, %max3A_124 : vector<16xf32>
        %swap3A_126 = arith.index_cast %scan3A_87 : i32 to index
        %swap3A_127 = arith.constant 16 : index
        %swap3A_128 = tpu.vector_load %arg17[%swap3A_126, %swap3A_127] {strides = array<i32>} : memref<80x128xf32, #tpu.memory_space<vmem>>, vector<1x16xf32>,
        %swap3A_129 = vector.shape_cast %swap3A_128 : vector<1x16xf32> to vector<16xf32>
        %swap3A_130 = vector.shape_cast %max3A_125 : vector<16xf32> to vector<1x16xf32>
        tpu.vector_store %arg17[%swap3A_126, %swap3A_127], %swap3A_130 {strides = array<i32>} : memref<80x128xf32, #tpu.memory_space<vmem>>, vector<1x16xf32>,
        %get3A_131 = arith.index_cast %scan3A_87 : i32 to index
        %get3A_132 = arith.constant 32 : index
        %get3A_133 = tpu.vector_load %arg14[%get3A_131, %get3A_132] {strides = array<i32>} : memref<80x128xf32, #tpu.memory_space<vmem>>, vector<1x16xf32>,
        %get3A_134 = vector.shape_cast %get3A_133 : vector<1x16xf32> to vector<16xf32>
        %get3A_135 = arith.index_cast %scan3A_87 : i32 to index
        %get3A_136 = arith.constant 32 : index
        %get3A_137 = tpu.vector_load %arg15[%get3A_135, %get3A_136] {strides = array<i32>} : memref<80x128xf32, #tpu.memory_space<vmem>>, vector<1x16xf32>,
        %get3A_138 = vector.shape_cast %get3A_137 : vector<1x16xf32> to vector<16xf32>
        %add3A_139 = arith.addf %get3A_134, %get3A_138 : vector<16xf32>
        %get3A_140 = arith.index_cast %scan3A_87 : i32 to index
        %get3A_141 = arith.constant 32 : index
        %get3A_142 = tpu.vector_load %arg16[%get3A_140, %get3A_141] {strides = array<i32>} : memref<80x128xf32, #tpu.memory_space<vmem>>, vector<1x16xf32>,
        %get3A_143 = vector.shape_cast %get3A_142 : vector<1x16xf32> to vector<16xf32>
        %add3A_144 = arith.addf %add3A_139, %get3A_143 : vector<16xf32>
        %max3A_145 = arith.constant 0.000000e+00 : f32
        %max3A_146 = vector.broadcast %max3A_145 : f32 to vector<16xf32>
        %max3A_147 = arith.maximumf %add3A_144, %max3A_146 : vector<16xf32>
        %swap3A_148 = arith.index_cast %scan3A_87 : i32 to index
        %swap3A_149 = arith.constant 32 : index
        %swap3A_150 = tpu.vector_load %arg17[%swap3A_148, %swap3A_149] {strides = array<i32>} : memref<80x128xf32, #tpu.memory_space<vmem>>, vector<1x16xf32>,
        %swap3A_151 = vector.shape_cast %swap3A_150 : vector<1x16xf32> to vector<16xf32>
        %swap3A_152 = vector.shape_cast %max3A_147 : vector<16xf32> to vector<1x16xf32>
        tpu.vector_store %arg17[%swap3A_148, %swap3A_149], %swap3A_152 {strides = array<i32>} : memref<80x128xf32, #tpu.memory_space<vmem>>, vector<1x16xf32>,
        %get3A_153 = arith.index_cast %scan3A_87 : i32 to index
        %get3A_154 = arith.constant 48 : index
        %get3A_155 = tpu.vector_load %arg14[%get3A_153, %get3A_154] {strides = array<i32>} : memref<80x128xf32, #tpu.memory_space<vmem>>, vector<1x16xf32>,
        %get3A_156 = vector.shape_cast %get3A_155 : vector<1x16xf32> to vector<16xf32>
        %get3A_157 = arith.index_cast %scan3A_87 : i32 to index
        %get3A_158 = arith.constant 48 : index
        %get3A_159 = tpu.vector_load %arg15[%get3A_157, %get3A_158] {strides = array<i32>} : memref<80x128xf32, #tpu.memory_space<vmem>>, vector<1x16xf32>,
        %get3A_160 = vector.shape_cast %get3A_159 : vector<1x16xf32> to vector<16xf32>
        %add3A_161 = arith.addf %get3A_156, %get3A_160 : vector<16xf32>
        %get3A_162 = arith.index_cast %scan3A_87 : i32 to index
        %get3A_163 = arith.constant 48 : index
        %get3A_164 = tpu.vector_load %arg16[%get3A_162, %get3A_163] {strides = array<i32>} : memref<80x128xf32, #tpu.memory_space<vmem>>, vector<1x16xf32>,
        %get3A_165 = vector.shape_cast %get3A_164 : vector<1x16xf32> to vector<16xf32>
        %add3A_166 = arith.addf %add3A_161, %get3A_165 : vector<16xf32>
        %max3A_167 = arith.constant 0.000000e+00 : f32
        %max3A_168 = vector.broadcast %max3A_167 : f32 to vector<16xf32>
        %max3A_169 = arith.maximumf %add3A_166, %max3A_168 : vector<16xf32>
        %swap3A_170 = arith.index_cast %scan3A_87 : i32 to index
        %swap3A_171 = arith.constant 48 : index
        %swap3A_172 = tpu.vector_load %arg17[%swap3A_170, %swap3A_171] {strides = array<i32>} : memref<80x128xf32, #tpu.memory_space<vmem>>, vector<1x16xf32>,
        %swap3A_173 = vector.shape_cast %swap3A_172 : vector<1x16xf32> to vector<16xf32>
        %swap3A_174 = vector.shape_cast %max3A_169 : vector<16xf32> to vector<1x16xf32>
        tpu.vector_store %arg17[%swap3A_170, %swap3A_171], %swap3A_174 {strides = array<i32>} : memref<80x128xf32, #tpu.memory_space<vmem>>, vector<1x16xf32>,
        %get3A_175 = arith.index_cast %scan3A_87 : i32 to index
        %get3A_176 = arith.constant 64 : index
        %get3A_177 = tpu.vector_load %arg14[%get3A_175, %get3A_176] {strides = array<i32>} : memref<80x128xf32, #tpu.memory_space<vmem>>, vector<1x16xf32>,
        %get3A_178 = vector.shape_cast %get3A_177 : vector<1x16xf32> to vector<16xf32>
        %get3A_179 = arith.index_cast %scan3A_87 : i32 to index
        %get3A_180 = arith.constant 64 : index
        %get3A_181 = tpu.vector_load %arg15[%get3A_179, %get3A_180] {strides = array<i32>} : memref<80x128xf32, #tpu.memory_space<vmem>>, vector<1x16xf32>,
        %get3A_182 = vector.shape_cast %get3A_181 : vector<1x16xf32> to vector<16xf32>
        %add3A_183 = arith.addf %get3A_178, %get3A_182 : vector<16xf32>
        %get3A_184 = arith.index_cast %scan3A_87 : i32 to index
        %get3A_185 = arith.constant 64 : index
        %get3A_186 = tpu.vector_load %arg16[%get3A_184, %get3A_185] {strides = array<i32>} : memref<80x128xf32, #tpu.memory_space<vmem>>, vector<1x16xf32>,
        %get3A_187 = vector.shape_cast %get3A_186 : vector<1x16xf32> to vector<16xf32>
        %add3A_188 = arith.addf %add3A_183, %get3A_187 : vector<16xf32>
        %max3A_189 = arith.constant 0.000000e+00 : f32
        %max3A_190 = vector.broadcast %max3A_189 : f32 to vector<16xf32>
        %max3A_191 = arith.maximumf %add3A_188, %max3A_190 : vector<16xf32>
        %swap3A_192 = arith.index_cast %scan3A_87 : i32 to index
        %swap3A_193 = arith.constant 64 : index
        %swap3A_194 = tpu.vector_load %arg17[%swap3A_192, %swap3A_193] {strides = array<i32>} : memref<80x128xf32, #tpu.memory_space<vmem>>, vector<1x16xf32>,
        %swap3A_195 = vector.shape_cast %swap3A_194 : vector<1x16xf32> to vector<16xf32>
        %swap3A_196 = vector.shape_cast %max3A_191 : vector<16xf32> to vector<1x16xf32>
        tpu.vector_store %arg17[%swap3A_192, %swap3A_193], %swap3A_196 {strides = array<i32>} : memref<80x128xf32, #tpu.memory_space<vmem>>, vector<1x16xf32>,
        %get3A_197 = arith.index_cast %scan3A_87 : i32 to index
        %get3A_198 = arith.constant 80 : index
        %get3A_199 = tpu.vector_load %arg14[%get3A_197, %get3A_198] {strides = array<i32>} : memref<80x128xf32, #tpu.memory_space<vmem>>, vector<1x16xf32>,
        %get3A_200 = vector.shape_cast %get3A_199 : vector<1x16xf32> to vector<16xf32>
        %get3A_201 = arith.index_cast %scan3A_87 : i32 to index
        %get3A_202 = arith.constant 80 : index
        %get3A_203 = tpu.vector_load %arg15[%get3A_201, %get3A_202] {strides = array<i32>} : memref<80x128xf32, #tpu.memory_space<vmem>>, vector<1x16xf32>,
        %get3A_204 = vector.shape_cast %get3A_203 : vector<1x16xf32> to vector<16xf32>
        %add3A_205 = arith.addf %get3A_200, %get3A_204 : vector<16xf32>
        %get3A_206 = arith.index_cast %scan3A_87 : i32 to index
        %get3A_207 = arith.constant 80 : index
        %get3A_208 = tpu.vector_load %arg16[%get3A_206, %get3A_207] {strides = array<i32>} : memref<80x128xf32, #tpu.memory_space<vmem>>, vector<1x16xf32>,
        %get3A_209 = vector.shape_cast %get3A_208 : vector<1x16xf32> to vector<16xf32>
        %add3A_210 = arith.addf %add3A_205, %get3A_209 : vector<16xf32>
        %max3A_211 = arith.constant 0.000000e+00 : f32
        %max3A_212 = vector.broadcast %max3A_211 : f32 to vector<16xf32>
        %max3A_213 = arith.maximumf %add3A_210, %max3A_212 : vector<16xf32>
        %swap3A_214 = arith.index_cast %scan3A_87 : i32 to index
        %swap3A_215 = arith.constant 80 : index
        %swap3A_216 = tpu.vector_load %arg17[%swap3A_214, %swap3A_215] {strides = array<i32>} : memref<80x128xf32, #tpu.memory_space<vmem>>, vector<1x16xf32>,
        %swap3A_217 = vector.shape_cast %swap3A_216 : vector<1x16xf32> to vector<16xf32>
        %swap3A_218 = vector.shape_cast %max3A_213 : vector<16xf32> to vector<1x16xf32>
        tpu.vector_store %arg17[%swap3A_214, %swap3A_215], %swap3A_218 {strides = array<i32>} : memref<80x128xf32, #tpu.memory_space<vmem>>, vector<1x16xf32>,
        %get3A_219 = arith.index_cast %scan3A_87 : i32 to index
        %get3A_220 = arith.constant 96 : index
        %get3A_221 = tpu.vector_load %arg14[%get3A_219, %get3A_220] {strides = array<i32>} : memref<80x128xf32, #tpu.memory_space<vmem>>, vector<1x16xf32>,
        %get3A_222 = vector.shape_cast %get3A_221 : vector<1x16xf32> to vector<16xf32>
        %get3A_223 = arith.index_cast %scan3A_87 : i32 to index
        %get3A_224 = arith.constant 96 : index
        %get3A_225 = tpu.vector_load %arg15[%get3A_223, %get3A_224] {strides = array<i32>} : memref<80x128xf32, #tpu.memory_space<vmem>>, vector<1x16xf32>,
        %get3A_226 = vector.shape_cast %get3A_225 : vector<1x16xf32> to vector<16xf32>
        %add3A_227 = arith.addf %get3A_222, %get3A_226 : vector<16xf32>
        %get3A_228 = arith.index_cast %scan3A_87 : i32 to index
        %get3A_229 = arith.constant 96 : index
        %get3A_230 = tpu.vector_load %arg16[%get3A_228, %get3A_229] {strides = array<i32>} : memref<80x128xf32, #tpu.memory_space<vmem>>, vector<1x16xf32>,
        %get3A_231 = vector.shape_cast %get3A_230 : vector<1x16xf32> to vector<16xf32>
        %add3A_232 = arith.addf %add3A_227, %get3A_231 : vector<16xf32>
        %max3A_233 = arith.constant 0.000000e+00 : f32
        %max3A_234 = vector.broadcast %max3A_233 : f32 to vector<16xf32>
        %max3A_235 = arith.maximumf %add3A_232, %max3A_234 : vector<16xf32>
        %swap3A_236 = arith.index_cast %scan3A_87 : i32 to index
        %swap3A_237 = arith.constant 96 : index
        %swap3A_238 = tpu.vector_load %arg17[%swap3A_236, %swap3A_237] {strides = array<i32>} : memref<80x128xf32, #tpu.memory_space<vmem>>, vector<1x16xf32>,
        %swap3A_239 = vector.shape_cast %swap3A_238 : vector<1x16xf32> to vector<16xf32>
        %swap3A_240 = vector.shape_cast %max3A_235 : vector<16xf32> to vector<1x16xf32>
        tpu.vector_store %arg17[%swap3A_236, %swap3A_237], %swap3A_240 {strides = array<i32>} : memref<80x128xf32, #tpu.memory_space<vmem>>, vector<1x16xf32>,
        %get3A_241 = arith.index_cast %scan3A_87 : i32 to index
        %get3A_242 = arith.constant 112 : index
        %get3A_243 = tpu.vector_load %arg14[%get3A_241, %get3A_242] {strides = array<i32>} : memref<80x128xf32, #tpu.memory_space<vmem>>, vector<1x16xf32>,
        %get3A_244 = vector.shape_cast %get3A_243 : vector<1x16xf32> to vector<16xf32>
        %get3A_245 = arith.index_cast %scan3A_87 : i32 to index
        %get3A_246 = arith.constant 112 : index
        %get3A_247 = tpu.vector_load %arg15[%get3A_245, %get3A_246] {strides = array<i32>} : memref<80x128xf32, #tpu.memory_space<vmem>>, vector<1x16xf32>,
        %get3A_248 = vector.shape_cast %get3A_247 : vector<1x16xf32> to vector<16xf32>
        %add3A_249 = arith.addf %get3A_244, %get3A_248 : vector<16xf32>
        %get3A_250 = arith.index_cast %scan3A_87 : i32 to index
        %get3A_251 = arith.constant 112 : index
        %get3A_252 = tpu.vector_load %arg16[%get3A_250, %get3A_251] {strides = array<i32>} : memref<80x128xf32, #tpu.memory_space<vmem>>, vector<1x16xf32>,
        %get3A_253 = vector.shape_cast %get3A_252 : vector<1x16xf32> to vector<16xf32>
        %add3A_254 = arith.addf %add3A_249, %get3A_253 : vector<16xf32>
        %max3A_255 = arith.constant 0.000000e+00 : f32
        %max3A_256 = vector.broadcast %max3A_255 : f32 to vector<16xf32>
        %max3A_257 = arith.maximumf %add3A_254, %max3A_256 : vector<16xf32>
        %swap3A_258 = arith.index_cast %scan3A_87 : i32 to index
        %swap3A_259 = arith.constant 112 : index
        %swap3A_260 = tpu.vector_load %arg17[%swap3A_258, %swap3A_259] {strides = array<i32>} : memref<80x128xf32, #tpu.memory_space<vmem>>, vector<1x16xf32>,
        %swap3A_261 = vector.shape_cast %swap3A_260 : vector<1x16xf32> to vector<16xf32>
        %swap3A_262 = vector.shape_cast %max3A_257 : vector<16xf32> to vector<1x16xf32>
        tpu.vector_store %arg17[%swap3A_258, %swap3A_259], %swap3A_262 {strides = array<i32>} : memref<80x128xf32, #tpu.memory_space<vmem>>, vector<1x16xf32>,
        %scan3A_263 = arith.constant 0 : i32
        scf.yield %scan3A_263 : i32
      }
      %scan3A_85 = arith.constant 80 : i32
      "tpu.region"() ({
        %run_scoped3A = tpu.sem_alloc : memref<!tpu.dma_semaphore, #tpu.memory_space<semaphore_mem>>
        %dma_start3A_87 = arith.constant 0 : i32
        %dma_start3A_88 = arith.constant 0 : i32
        %dma_start3A_89 = tpu.memref_slice %arg18[%dma_start3A_87, %dma_start3A_88] : memref<2516x128xf32, #tpu.memory_space<vmem_shared>> -> memref<2516x128xf32, #tpu.memory_space<vmem_shared>>
        tpu.enqueue_indirect_dma source(%arg17 : memref<80x128xf32, #tpu.memory_space<vmem>>) target(%dma_start3A_89 : memref<2516x128xf32, #tpu.memory_space<vmem_shared>>) offsets(%arg13 : memref<80xi32, #tpu.memory_space<vmem>>) semaphore(%run_scoped3A : memref<!tpu.dma_semaphore, #tpu.memory_space<semaphore_mem>>) {add = true}
        %dma_wait3A_90 = arith.constant 0 : i32
        %dma_wait3A_91 = arith.constant 0 : i32
        %dma_wait3A_92 = tpu.memref_slice %arg18[%dma_wait3A_90, %dma_wait3A_91] : memref<2516x128xf32, #tpu.memory_space<vmem_shared>> -> memref<2516x128xf32, #tpu.memory_space<vmem_shared>>
        tpu.wait_indirect_dma semaphore(%run_scoped3A : memref<!tpu.dma_semaphore, #tpu.memory_space<semaphore_mem>>) src(%arg17 : memref<80x128xf32, #tpu.memory_space<vmem>>) dst(%dma_wait3A_92 : memref<2516x128xf32, #tpu.memory_space<vmem_shared>>)
        tpu.yield
      }) : () -> ()
      %scan3A_86 = arith.constant 0 : i32
      scf.yield %scan3A_86 : i32
    }
    %scan3A_18 = arith.constant 250 : i32
    %barrier3A_19 = arith.constant 0 : index
    tpu.barrier barrier_id(%barrier3A_19)
    %eq3A_20 = arith.constant 0 : i32
    %eq3A_21 = arith.cmpi eq, %arg1, %eq3A_20 : i32
    %convert_element_type3A_22 = arith.extui %eq3A_21 : i1 to i32
    %cond3A_23 = arith.constant 0 : i32
    %cond3A_24 = arith.cmpi ne, %convert_element_type3A_22, %cond3A_23 : i32
    scf.if %cond3A_24 {
      "tpu.region"() ({
        %run_scoped3A = tpu.sem_alloc : memref<!tpu.dma_semaphore, #tpu.memory_space<semaphore_mem>>
        %dma_start3A = arith.constant 0 : i32
        %dma_start3A_25 = arith.constant 0 : i32
        %dma_start3A_26 = tpu.memref_slice %arg9[%arg0, %dma_start3A, %dma_start3A_25] : memref<2x2516x128xf32, #tpu.memory_space<hbm>> -> memref<1x2516x128xf32, #tpu.memory_space<hbm>>
        %dma_start3A_27 = tpu.memref_squeeze %dma_start3A_26 : memref<1x2516x128xf32, #tpu.memory_space<hbm>> -> memref<2516x128xf32, #tpu.memory_space<hbm>>
        tpu.enqueue_dma source(%arg18 : memref<2516x128xf32, #tpu.memory_space<vmem_shared>>) target(%dma_start3A_27 : memref<2516x128xf32, #tpu.memory_space<hbm>>) target_semaphore(%run_scoped3A : memref<!tpu.dma_semaphore, #tpu.memory_space<semaphore_mem>>)
        %dma_wait3A = arith.constant 0 : i32
        %dma_wait3A_28 = arith.constant 0 : i32
        %dma_wait3A_29 = tpu.memref_slice %arg9[%arg0, %dma_wait3A, %dma_wait3A_28] : memref<2x2516x128xf32, #tpu.memory_space<hbm>> -> memref<1x2516x128xf32, #tpu.memory_space<hbm>>
        %dma_wait3A_30 = tpu.memref_squeeze %dma_wait3A_29 : memref<1x2516x128xf32, #tpu.memory_space<hbm>> -> memref<2516x128xf32, #tpu.memory_space<hbm>>
        tpu.wait_dma2 semaphore(%run_scoped3A : memref<!tpu.dma_semaphore, #tpu.memory_space<semaphore_mem>>) src(%arg18 : memref<2516x128xf32, #tpu.memory_space<vmem_shared>>) dst(%dma_wait3A_30 : memref<2516x128xf32, #tpu.memory_space<hbm>>)
        tpu.yield
      }) : () -> ()
    } else {
    }
    return
  }
}

#map = affine_map<(d0, d1) -> (0, 0)>
#map1 = affine_map<(d0, d1) -> (0, 0, 0)>
#map2 = affine_map<(d0, d1) -> (0)>
module attributes {stable_mosaic.version = 14 : i64} {
  func.func @_edge_pool_kernel(%arg0: i32, %arg1: i32, %arg2: memref<10000x128xf32, #tpu.memory_space<hbm>>, %arg3: memref<10000x128xf32, #tpu.memory_space<hbm>>, %arg4: memref<2x320000x64xf32, #tpu.memory_space<hbm>>, %arg5: memref<320000xi32, #tpu.memory_space<hbm>>, %arg6: memref<320000xi32, #tpu.memory_space<hbm>>, %arg7: memref<320000xi32, #tpu.memory_space<hbm>>, %arg8: memref<256x128xf32, #tpu.memory_space<hbm>>, %arg9: memref<2x256x128xf32, #tpu.memory_space<hbm>>, %arg10: memref<80xi32, #tpu.memory_space<vmem>>, %arg11: memref<80xi32, #tpu.memory_space<vmem>>, %arg12: memref<80xi32, #tpu.memory_space<vmem>>, %arg13: memref<80x128xf32, #tpu.memory_space<vmem>>, %arg14: memref<80x128xf32, #tpu.memory_space<vmem>>, %arg15: memref<80x64xf32, #tpu.memory_space<vmem>>, %arg16: memref<80x128xf32, #tpu.memory_space<vmem>>, %arg17: memref<256x128xf32, #tpu.memory_space<vmem_shared>>, %arg18: memref<!tpu.dma_semaphore, #tpu.memory_space<semaphore_mem>>) attributes {dimension_semantics = [#tpu.dimension_semantics<core_parallel>, #tpu.dimension_semantics<subcore_parallel>], iteration_bounds = array<i64: 2, 16>, scalar_prefetch = 0 : i64, scratch_operands = 9 : i64, tpu.core_type = #tpu.core_type<sc_vector_subcore>, window_params = [{transform_indices = #map}, {transform_indices = #map}, {transform_indices = #map1}, {transform_indices = #map2}, {transform_indices = #map2}, {transform_indices = #map2}, {transform_indices = #map}, {transform_indices = #map1}]} {
    %eq3A = arith.constant 0 : i32
    %eq3A_0 = arith.cmpi eq, %arg1, %eq3A : i32
    %convert_element_type3A = arith.extui %eq3A_0 : i1 to i32
    %cond3A = arith.constant 0 : i32
    %cond3A_1 = arith.cmpi ne, %convert_element_type3A, %cond3A : i32
    scf.if %cond3A_1 {
      "tpu.region"() ({
        %run_scoped3A = tpu.sem_alloc : memref<!tpu.dma_semaphore, #tpu.memory_space<semaphore_mem>>
        tpu.enqueue_dma source(%arg8 : memref<256x128xf32, #tpu.memory_space<hbm>>) target(%arg17 : memref<256x128xf32, #tpu.memory_space<vmem_shared>>) target_semaphore(%run_scoped3A : memref<!tpu.dma_semaphore, #tpu.memory_space<semaphore_mem>>)
        tpu.wait_dma2 semaphore(%run_scoped3A : memref<!tpu.dma_semaphore, #tpu.memory_space<semaphore_mem>>) src(%arg8 : memref<256x128xf32, #tpu.memory_space<hbm>>) dst(%arg17 : memref<256x128xf32, #tpu.memory_space<vmem_shared>>)
        tpu.yield
      }) : () -> ()
    } else {
    }
    %scan3A = arith.constant 0 : i32
    %scan3A_2 = arith.constant 0 : i32
    %scan3A_3 = arith.constant 320 : i32
    %scan3A_4 = arith.addi %scan3A_2, %scan3A_3 : i32
    %scan3A_5 = arith.constant 1 : i32
    %scan3A_6 = scf.for %scan3A_27 = %scan3A_2 to %scan3A_4 step %scan3A_5 iter_args(%scan3A_28 = %scan3A) -> (i32)  : i32 {
      %jit3A = arith.constant 4 : i32
      %div3A = arith.divsi %scan3A_27, %jit3A : i32
      %sign3A = arith.constant 0 : i32
      %sign3A_29 = arith.cmpi sgt, %scan3A_27, %sign3A : i32
      %sign3A_30 = arith.extui %sign3A_29 : i1 to i32
      %sign3A_31 = arith.constant 0 : i32
      %sign3A_32 = arith.cmpi slt, %scan3A_27, %sign3A_31 : i32
      %sign3A_33 = arith.extui %sign3A_32 : i1 to i32
      %sign3A_34 = arith.subi %sign3A_30, %sign3A_33 : i32
      %sign3A_35 = arith.constant 0 : i32
      %sign3A_36 = arith.cmpi sgt, %jit3A, %sign3A_35 : i32
      %sign3A_37 = arith.extui %sign3A_36 : i1 to i32
      %sign3A_38 = arith.constant 0 : i32
      %sign3A_39 = arith.cmpi slt, %jit3A, %sign3A_38 : i32
      %sign3A_40 = arith.extui %sign3A_39 : i1 to i32
      %sign3A_41 = arith.subi %sign3A_37, %sign3A_40 : i32
      %ne3A = arith.cmpi ne, %sign3A_34, %sign3A_41 : i32
      %rem3A = arith.remsi %scan3A_27, %jit3A : i32
      %ne3A_42 = arith.constant 0 : i32
      %ne3A_43 = arith.cmpi ne, %rem3A, %ne3A_42 : i32
      %and3A_44 = arith.andi %ne3A, %ne3A_43 : i1
      %sub3A = arith.constant 1 : i32
      %sub3A_45 = arith.subi %div3A, %sub3A : i32
      %select_n3A = arith.select %and3A_44, %sub3A_45, %div3A : i32
      %jit3A_46 = arith.constant 4 : i32
      %eq3A_47 = arith.constant 0 : i32
      %eq3A_48 = arith.cmpi eq, %jit3A_46, %eq3A_47 : i32
      %jit3A_49 = arith.constant 1 : i32
      %select_n3A_50 = arith.select %eq3A_48, %jit3A_49, %jit3A_46 : i32
      %rem3A_51 = arith.remsi %scan3A_27, %select_n3A_50 : i32
      %ne3A_52 = arith.constant 0 : i32
      %ne3A_53 = arith.cmpi ne, %rem3A_51, %ne3A_52 : i32
      %lt3A = arith.constant 0 : i32
      %lt3A_54 = arith.cmpi slt, %rem3A_51, %lt3A : i32
      %lt3A_55 = arith.constant 0 : i32
      %lt3A_56 = arith.cmpi slt, %select_n3A_50, %lt3A_55 : i32
      %ne3A_57 = arith.xori %lt3A_54, %lt3A_56 : i1
      %and3A_58 = arith.andi %ne3A_57, %ne3A_53 : i1
      %add3A = arith.addi %rem3A_51, %select_n3A_50 : i32
      %select_n3A_59 = arith.select %and3A_58, %add3A, %rem3A_51 : i32
      %broadcast_in_dim3A = arith.constant 0.000000e+00 : f32
      %broadcast_in_dim3A_60 = vector.broadcast %broadcast_in_dim3A : f32 to vector<16xf32>
      %mul3A_61 = arith.constant 16 : i32
      %mul3A_62 = arith.muli %select_n3A_59, %mul3A_61 : i32
      %add3A_63 = arith.constant 64 : i32
      %add3A_64 = arith.addi %add3A_63, %mul3A_62 : i32
      %swap3A = arith.index_cast %select_n3A : i32 to index
      %swap3A_65 = arith.index_cast %add3A_64 : i32 to index
      %swap3A_66 = tpu.vector_load %arg16[%swap3A, %swap3A_65] {strides = array<i32>} : memref<80x128xf32, #tpu.memory_space<vmem>>, vector<1x16xf32>,
      %swap3A_67 = vector.shape_cast %swap3A_66 : vector<1x16xf32> to vector<16xf32>
      %swap3A_68 = vector.shape_cast %broadcast_in_dim3A_60 : vector<16xf32> to vector<1x16xf32>
      tpu.vector_store %arg16[%swap3A, %swap3A_65], %swap3A_68 {strides = array<i32>} : memref<80x128xf32, #tpu.memory_space<vmem>>, vector<1x16xf32>,
      %scan3A_69 = arith.constant 0 : i32
      scf.yield %scan3A_69 : i32
    }
    %scan3A_7 = arith.constant 320 : i32
    %barrier3A = arith.constant 0 : index
    tpu.barrier barrier_id(%barrier3A)
    %mul3A = arith.constant 20000 : i32
    %mul3A_8 = arith.muli %arg1, %mul3A : i32
    %and3A = arith.constant 3 : i32
    %and3A_9 = arith.andi %arg1, %and3A : i32
    %mul3A_10 = arith.constant 64 : i32
    %mul3A_11 = arith.muli %and3A_9, %mul3A_10 : i32
    %mul3A_12 = arith.constant 64 : i32
    %mul3A_13 = arith.muli %arg0, %mul3A_12 : i32
    %scan3A_14 = arith.constant 0 : i32
    %scan3A_15 = arith.constant 0 : i32
    %scan3A_16 = arith.constant 250 : i32
    %scan3A_17 = arith.addi %scan3A_15, %scan3A_16 : i32
    %scan3A_18 = arith.constant 1 : i32
    %scan3A_19 = scf.for %scan3A_27 = %scan3A_15 to %scan3A_17 step %scan3A_18 iter_args(%scan3A_28 = %scan3A_14) -> (i32)  : i32 {
      %mul3A_29 = arith.constant 80 : i32
      %mul3A_30 = arith.muli %scan3A_27, %mul3A_29 : i32
      %add3A = arith.addi %mul3A_8, %mul3A_30 : i32
      %dma_start3A = tpu.memref_slice %arg5[%add3A] : memref<320000xi32, #tpu.memory_space<hbm>> -> memref<80xi32, #tpu.memory_space<hbm>>
      %dma_start3A_31 = tpu.memref_slice %arg5[%add3A] : memref<320000xi32, #tpu.memory_space<hbm>> -> memref<80xi32, #tpu.memory_space<hbm>>
      tpu.enqueue_dma source(%dma_start3A_31 : memref<80xi32, #tpu.memory_space<hbm>>) target(%arg10 : memref<80xi32, #tpu.memory_space<vmem>>) target_semaphore(%arg18 : memref<!tpu.dma_semaphore, #tpu.memory_space<semaphore_mem>>)
      %dma_start3A_32 = tpu.memref_slice %arg6[%add3A] : memref<320000xi32, #tpu.memory_space<hbm>> -> memref<80xi32, #tpu.memory_space<hbm>>
      %dma_start3A_33 = tpu.memref_slice %arg6[%add3A] : memref<320000xi32, #tpu.memory_space<hbm>> -> memref<80xi32, #tpu.memory_space<hbm>>
      tpu.enqueue_dma source(%dma_start3A_33 : memref<80xi32, #tpu.memory_space<hbm>>) target(%arg11 : memref<80xi32, #tpu.memory_space<vmem>>) target_semaphore(%arg18 : memref<!tpu.dma_semaphore, #tpu.memory_space<semaphore_mem>>)
      %dma_wait3A = tpu.memref_slice %arg5[%add3A] : memref<320000xi32, #tpu.memory_space<hbm>> -> memref<80xi32, #tpu.memory_space<hbm>>
      %dma_wait3A_34 = tpu.memref_slice %arg5[%add3A] : memref<320000xi32, #tpu.memory_space<hbm>> -> memref<80xi32, #tpu.memory_space<hbm>>
      tpu.wait_dma2 semaphore(%arg18 : memref<!tpu.dma_semaphore, #tpu.memory_space<semaphore_mem>>) src(%dma_wait3A_34 : memref<80xi32, #tpu.memory_space<hbm>>) dst(%arg10 : memref<80xi32, #tpu.memory_space<vmem>>)
      %dma_wait3A_35 = tpu.memref_slice %arg6[%add3A] : memref<320000xi32, #tpu.memory_space<hbm>> -> memref<80xi32, #tpu.memory_space<hbm>>
      %dma_wait3A_36 = tpu.memref_slice %arg6[%add3A] : memref<320000xi32, #tpu.memory_space<hbm>> -> memref<80xi32, #tpu.memory_space<hbm>>
      tpu.wait_dma2 semaphore(%arg18 : memref<!tpu.dma_semaphore, #tpu.memory_space<semaphore_mem>>) src(%dma_wait3A_36 : memref<80xi32, #tpu.memory_space<hbm>>) dst(%arg11 : memref<80xi32, #tpu.memory_space<vmem>>)
      %dma_start3A_37 = arith.constant 0 : i32
      %dma_start3A_38 = arith.constant 0 : i32
      %dma_start3A_39 = tpu.memref_slice %arg2[%dma_start3A_37, %dma_start3A_38] : memref<10000x128xf32, #tpu.memory_space<hbm>> -> memref<10000x128xf32, #tpu.memory_space<hbm>>
      tpu.enqueue_indirect_dma source(%dma_start3A_39 : memref<10000x128xf32, #tpu.memory_space<hbm>>) target(%arg13 : memref<80x128xf32, #tpu.memory_space<vmem>>) offsets(%arg10 : memref<80xi32, #tpu.memory_space<vmem>>) semaphore(%arg18 : memref<!tpu.dma_semaphore, #tpu.memory_space<semaphore_mem>>)
      %dma_start3A_40 = arith.constant 0 : i32
      %dma_start3A_41 = arith.constant 0 : i32
      %dma_start3A_42 = tpu.memref_slice %arg3[%dma_start3A_40, %dma_start3A_41] : memref<10000x128xf32, #tpu.memory_space<hbm>> -> memref<10000x128xf32, #tpu.memory_space<hbm>>
      tpu.enqueue_indirect_dma source(%dma_start3A_42 : memref<10000x128xf32, #tpu.memory_space<hbm>>) target(%arg14 : memref<80x128xf32, #tpu.memory_space<vmem>>) offsets(%arg11 : memref<80xi32, #tpu.memory_space<vmem>>) semaphore(%arg18 : memref<!tpu.dma_semaphore, #tpu.memory_space<semaphore_mem>>)
      %dma_start3A_43 = arith.constant 0 : i32
      %dma_start3A_44 = arith.constant 0 : i32
      %dma_start3A_45 = tpu.memref_slice %arg4[%arg0, %dma_start3A_43, %dma_start3A_44] : memref<2x320000x64xf32, #tpu.memory_space<hbm>> -> memref<1x320000x64xf32, #tpu.memory_space<hbm>>
      %dma_start3A_46 = tpu.memref_squeeze %dma_start3A_45 : memref<1x320000x64xf32, #tpu.memory_space<hbm>> -> memref<320000x64xf32, #tpu.memory_space<hbm>>
      %dma_start3A_47 = arith.constant 0 : i32
      %dma_start3A_48 = tpu.memref_slice %dma_start3A_46[%add3A, %dma_start3A_47] : memref<320000x64xf32, #tpu.memory_space<hbm>> -> memref<80x64xf32, #tpu.memory_space<hbm>>
      %dma_start3A_49 = arith.constant 0 : i32
      %dma_start3A_50 = arith.constant 0 : i32
      %dma_start3A_51 = tpu.memref_slice %arg4[%arg0, %dma_start3A_49, %dma_start3A_50] : memref<2x320000x64xf32, #tpu.memory_space<hbm>> -> memref<1x320000x64xf32, #tpu.memory_space<hbm>>
      %dma_start3A_52 = tpu.memref_squeeze %dma_start3A_51 : memref<1x320000x64xf32, #tpu.memory_space<hbm>> -> memref<320000x64xf32, #tpu.memory_space<hbm>>
      %dma_start3A_53 = arith.constant 0 : i32
      %dma_start3A_54 = tpu.memref_slice %dma_start3A_52[%add3A, %dma_start3A_53] : memref<320000x64xf32, #tpu.memory_space<hbm>> -> memref<80x64xf32, #tpu.memory_space<hbm>>
      tpu.enqueue_dma source(%dma_start3A_54 : memref<80x64xf32, #tpu.memory_space<hbm>>) target(%arg15 : memref<80x64xf32, #tpu.memory_space<vmem>>) target_semaphore(%arg18 : memref<!tpu.dma_semaphore, #tpu.memory_space<semaphore_mem>>)
      %dma_start3A_55 = tpu.memref_slice %arg7[%add3A] : memref<320000xi32, #tpu.memory_space<hbm>> -> memref<80xi32, #tpu.memory_space<hbm>>
      %dma_start3A_56 = tpu.memref_slice %arg7[%add3A] : memref<320000xi32, #tpu.memory_space<hbm>> -> memref<80xi32, #tpu.memory_space<hbm>>
      tpu.enqueue_dma source(%dma_start3A_56 : memref<80xi32, #tpu.memory_space<hbm>>) target(%arg12 : memref<80xi32, #tpu.memory_space<vmem>>) target_semaphore(%arg18 : memref<!tpu.dma_semaphore, #tpu.memory_space<semaphore_mem>>)
      %dma_wait3A_57 = arith.constant 0 : i32
      %dma_wait3A_58 = arith.constant 0 : i32
      %dma_wait3A_59 = tpu.memref_slice %arg2[%dma_wait3A_57, %dma_wait3A_58] : memref<10000x128xf32, #tpu.memory_space<hbm>> -> memref<10000x128xf32, #tpu.memory_space<hbm>>
      tpu.wait_indirect_dma semaphore(%arg18 : memref<!tpu.dma_semaphore, #tpu.memory_space<semaphore_mem>>) src(%dma_wait3A_59 : memref<10000x128xf32, #tpu.memory_space<hbm>>) dst(%arg13 : memref<80x128xf32, #tpu.memory_space<vmem>>)
      %dma_wait3A_60 = arith.constant 0 : i32
      %dma_wait3A_61 = arith.constant 0 : i32
      %dma_wait3A_62 = tpu.memref_slice %arg3[%dma_wait3A_60, %dma_wait3A_61] : memref<10000x128xf32, #tpu.memory_space<hbm>> -> memref<10000x128xf32, #tpu.memory_space<hbm>>
      tpu.wait_indirect_dma semaphore(%arg18 : memref<!tpu.dma_semaphore, #tpu.memory_space<semaphore_mem>>) src(%dma_wait3A_62 : memref<10000x128xf32, #tpu.memory_space<hbm>>) dst(%arg14 : memref<80x128xf32, #tpu.memory_space<vmem>>)
      %dma_wait3A_63 = arith.constant 0 : i32
      %dma_wait3A_64 = arith.constant 0 : i32
      %dma_wait3A_65 = tpu.memref_slice %arg4[%arg0, %dma_wait3A_63, %dma_wait3A_64] : memref<2x320000x64xf32, #tpu.memory_space<hbm>> -> memref<1x320000x64xf32, #tpu.memory_space<hbm>>
      %dma_wait3A_66 = tpu.memref_squeeze %dma_wait3A_65 : memref<1x320000x64xf32, #tpu.memory_space<hbm>> -> memref<320000x64xf32, #tpu.memory_space<hbm>>
      %dma_wait3A_67 = arith.constant 0 : i32
      %dma_wait3A_68 = tpu.memref_slice %dma_wait3A_66[%add3A, %dma_wait3A_67] : memref<320000x64xf32, #tpu.memory_space<hbm>> -> memref<80x64xf32, #tpu.memory_space<hbm>>
      %dma_wait3A_69 = arith.constant 0 : i32
      %dma_wait3A_70 = arith.constant 0 : i32
      %dma_wait3A_71 = tpu.memref_slice %arg4[%arg0, %dma_wait3A_69, %dma_wait3A_70] : memref<2x320000x64xf32, #tpu.memory_space<hbm>> -> memref<1x320000x64xf32, #tpu.memory_space<hbm>>
      %dma_wait3A_72 = tpu.memref_squeeze %dma_wait3A_71 : memref<1x320000x64xf32, #tpu.memory_space<hbm>> -> memref<320000x64xf32, #tpu.memory_space<hbm>>
      %dma_wait3A_73 = arith.constant 0 : i32
      %dma_wait3A_74 = tpu.memref_slice %dma_wait3A_72[%add3A, %dma_wait3A_73] : memref<320000x64xf32, #tpu.memory_space<hbm>> -> memref<80x64xf32, #tpu.memory_space<hbm>>
      tpu.wait_dma2 semaphore(%arg18 : memref<!tpu.dma_semaphore, #tpu.memory_space<semaphore_mem>>) src(%dma_wait3A_74 : memref<80x64xf32, #tpu.memory_space<hbm>>) dst(%arg15 : memref<80x64xf32, #tpu.memory_space<vmem>>)
      %dma_wait3A_75 = tpu.memref_slice %arg7[%add3A] : memref<320000xi32, #tpu.memory_space<hbm>> -> memref<80xi32, #tpu.memory_space<hbm>>
      %dma_wait3A_76 = tpu.memref_slice %arg7[%add3A] : memref<320000xi32, #tpu.memory_space<hbm>> -> memref<80xi32, #tpu.memory_space<hbm>>
      tpu.wait_dma2 semaphore(%arg18 : memref<!tpu.dma_semaphore, #tpu.memory_space<semaphore_mem>>) src(%dma_wait3A_76 : memref<80xi32, #tpu.memory_space<hbm>>) dst(%arg12 : memref<80xi32, #tpu.memory_space<vmem>>)
      %scan3A_77 = arith.constant 0 : i32
      %scan3A_78 = arith.constant 0 : i32
      %scan3A_79 = arith.constant 80 : i32
      %scan3A_80 = arith.addi %scan3A_78, %scan3A_79 : i32
      %scan3A_81 = arith.constant 1 : i32
      %scan3A_82 = scf.for %scan3A_92 = %scan3A_78 to %scan3A_80 step %scan3A_81 iter_args(%scan3A_93 = %scan3A_77) -> (i32)  : i32 {
        %add3A_94 = arith.constant 0 : i32
        %add3A_95 = arith.addi %mul3A_13, %add3A_94 : i32
        %get3A = arith.index_cast %scan3A_92 : i32 to index
        %get3A_96 = arith.index_cast %add3A_95 : i32 to index
        %get3A_97 = tpu.vector_load %arg13[%get3A, %get3A_96] {strides = array<i32>} : memref<80x128xf32, #tpu.memory_space<vmem>>, vector<1x16xf32>,
        %get3A_98 = vector.shape_cast %get3A_97 : vector<1x16xf32> to vector<16xf32>
        %get3A_99 = arith.index_cast %scan3A_92 : i32 to index
        %get3A_100 = arith.index_cast %add3A_95 : i32 to index
        %get3A_101 = tpu.vector_load %arg14[%get3A_99, %get3A_100] {strides = array<i32>} : memref<80x128xf32, #tpu.memory_space<vmem>>, vector<1x16xf32>,
        %get3A_102 = vector.shape_cast %get3A_101 : vector<1x16xf32> to vector<16xf32>
        %add3A_103 = arith.addf %get3A_98, %get3A_102 : vector<16xf32>
        %get3A_104 = arith.index_cast %scan3A_92 : i32 to index
        %get3A_105 = arith.constant 0 : index
        %get3A_106 = tpu.vector_load %arg15[%get3A_104, %get3A_105] {strides = array<i32>} : memref<80x64xf32, #tpu.memory_space<vmem>>, vector<1x16xf32>,
        %get3A_107 = vector.shape_cast %get3A_106 : vector<1x16xf32> to vector<16xf32>
        %add3A_108 = arith.addf %add3A_103, %get3A_107 : vector<16xf32>
        %max3A = arith.constant 0.000000e+00 : f32
        %max3A_109 = vector.broadcast %max3A : f32 to vector<16xf32>
        %max3A_110 = arith.maximumf %add3A_108, %max3A_109 : vector<16xf32>
        %swap3A = arith.index_cast %scan3A_92 : i32 to index
        %swap3A_111 = arith.constant 0 : index
        %swap3A_112 = tpu.vector_load %arg16[%swap3A, %swap3A_111] {strides = array<i32>} : memref<80x128xf32, #tpu.memory_space<vmem>>, vector<1x16xf32>,
        %swap3A_113 = vector.shape_cast %swap3A_112 : vector<1x16xf32> to vector<16xf32>
        %swap3A_114 = vector.shape_cast %max3A_110 : vector<16xf32> to vector<1x16xf32>
        tpu.vector_store %arg16[%swap3A, %swap3A_111], %swap3A_114 {strides = array<i32>} : memref<80x128xf32, #tpu.memory_space<vmem>>, vector<1x16xf32>,
        %add3A_115 = arith.constant 16 : i32
        %add3A_116 = arith.addi %mul3A_13, %add3A_115 : i32
        %get3A_117 = arith.index_cast %scan3A_92 : i32 to index
        %get3A_118 = arith.index_cast %add3A_116 : i32 to index
        %get3A_119 = tpu.vector_load %arg13[%get3A_117, %get3A_118] {strides = array<i32>} : memref<80x128xf32, #tpu.memory_space<vmem>>, vector<1x16xf32>,
        %get3A_120 = vector.shape_cast %get3A_119 : vector<1x16xf32> to vector<16xf32>
        %get3A_121 = arith.index_cast %scan3A_92 : i32 to index
        %get3A_122 = arith.index_cast %add3A_116 : i32 to index
        %get3A_123 = tpu.vector_load %arg14[%get3A_121, %get3A_122] {strides = array<i32>} : memref<80x128xf32, #tpu.memory_space<vmem>>, vector<1x16xf32>,
        %get3A_124 = vector.shape_cast %get3A_123 : vector<1x16xf32> to vector<16xf32>
        %add3A_125 = arith.addf %get3A_120, %get3A_124 : vector<16xf32>
        %get3A_126 = arith.index_cast %scan3A_92 : i32 to index
        %get3A_127 = arith.constant 16 : index
        %get3A_128 = tpu.vector_load %arg15[%get3A_126, %get3A_127] {strides = array<i32>} : memref<80x64xf32, #tpu.memory_space<vmem>>, vector<1x16xf32>,
        %get3A_129 = vector.shape_cast %get3A_128 : vector<1x16xf32> to vector<16xf32>
        %add3A_130 = arith.addf %add3A_125, %get3A_129 : vector<16xf32>
        %max3A_131 = arith.constant 0.000000e+00 : f32
        %max3A_132 = vector.broadcast %max3A_131 : f32 to vector<16xf32>
        %max3A_133 = arith.maximumf %add3A_130, %max3A_132 : vector<16xf32>
        %swap3A_134 = arith.index_cast %scan3A_92 : i32 to index
        %swap3A_135 = arith.constant 16 : index
        %swap3A_136 = tpu.vector_load %arg16[%swap3A_134, %swap3A_135] {strides = array<i32>} : memref<80x128xf32, #tpu.memory_space<vmem>>, vector<1x16xf32>,
        %swap3A_137 = vector.shape_cast %swap3A_136 : vector<1x16xf32> to vector<16xf32>
        %swap3A_138 = vector.shape_cast %max3A_133 : vector<16xf32> to vector<1x16xf32>
        tpu.vector_store %arg16[%swap3A_134, %swap3A_135], %swap3A_138 {strides = array<i32>} : memref<80x128xf32, #tpu.memory_space<vmem>>, vector<1x16xf32>,
        %add3A_139 = arith.constant 32 : i32
        %add3A_140 = arith.addi %mul3A_13, %add3A_139 : i32
        %get3A_141 = arith.index_cast %scan3A_92 : i32 to index
        %get3A_142 = arith.index_cast %add3A_140 : i32 to index
        %get3A_143 = tpu.vector_load %arg13[%get3A_141, %get3A_142] {strides = array<i32>} : memref<80x128xf32, #tpu.memory_space<vmem>>, vector<1x16xf32>,
        %get3A_144 = vector.shape_cast %get3A_143 : vector<1x16xf32> to vector<16xf32>
        %get3A_145 = arith.index_cast %scan3A_92 : i32 to index
        %get3A_146 = arith.index_cast %add3A_140 : i32 to index
        %get3A_147 = tpu.vector_load %arg14[%get3A_145, %get3A_146] {strides = array<i32>} : memref<80x128xf32, #tpu.memory_space<vmem>>, vector<1x16xf32>,
        %get3A_148 = vector.shape_cast %get3A_147 : vector<1x16xf32> to vector<16xf32>
        %add3A_149 = arith.addf %get3A_144, %get3A_148 : vector<16xf32>
        %get3A_150 = arith.index_cast %scan3A_92 : i32 to index
        %get3A_151 = arith.constant 32 : index
        %get3A_152 = tpu.vector_load %arg15[%get3A_150, %get3A_151] {strides = array<i32>} : memref<80x64xf32, #tpu.memory_space<vmem>>, vector<1x16xf32>,
        %get3A_153 = vector.shape_cast %get3A_152 : vector<1x16xf32> to vector<16xf32>
        %add3A_154 = arith.addf %add3A_149, %get3A_153 : vector<16xf32>
        %max3A_155 = arith.constant 0.000000e+00 : f32
        %max3A_156 = vector.broadcast %max3A_155 : f32 to vector<16xf32>
        %max3A_157 = arith.maximumf %add3A_154, %max3A_156 : vector<16xf32>
        %swap3A_158 = arith.index_cast %scan3A_92 : i32 to index
        %swap3A_159 = arith.constant 32 : index
        %swap3A_160 = tpu.vector_load %arg16[%swap3A_158, %swap3A_159] {strides = array<i32>} : memref<80x128xf32, #tpu.memory_space<vmem>>, vector<1x16xf32>,
        %swap3A_161 = vector.shape_cast %swap3A_160 : vector<1x16xf32> to vector<16xf32>
        %swap3A_162 = vector.shape_cast %max3A_157 : vector<16xf32> to vector<1x16xf32>
        tpu.vector_store %arg16[%swap3A_158, %swap3A_159], %swap3A_162 {strides = array<i32>} : memref<80x128xf32, #tpu.memory_space<vmem>>, vector<1x16xf32>,
        %add3A_163 = arith.constant 48 : i32
        %add3A_164 = arith.addi %mul3A_13, %add3A_163 : i32
        %get3A_165 = arith.index_cast %scan3A_92 : i32 to index
        %get3A_166 = arith.index_cast %add3A_164 : i32 to index
        %get3A_167 = tpu.vector_load %arg13[%get3A_165, %get3A_166] {strides = array<i32>} : memref<80x128xf32, #tpu.memory_space<vmem>>, vector<1x16xf32>,
        %get3A_168 = vector.shape_cast %get3A_167 : vector<1x16xf32> to vector<16xf32>
        %get3A_169 = arith.index_cast %scan3A_92 : i32 to index
        %get3A_170 = arith.index_cast %add3A_164 : i32 to index
        %get3A_171 = tpu.vector_load %arg14[%get3A_169, %get3A_170] {strides = array<i32>} : memref<80x128xf32, #tpu.memory_space<vmem>>, vector<1x16xf32>,
        %get3A_172 = vector.shape_cast %get3A_171 : vector<1x16xf32> to vector<16xf32>
        %add3A_173 = arith.addf %get3A_168, %get3A_172 : vector<16xf32>
        %get3A_174 = arith.index_cast %scan3A_92 : i32 to index
        %get3A_175 = arith.constant 48 : index
        %get3A_176 = tpu.vector_load %arg15[%get3A_174, %get3A_175] {strides = array<i32>} : memref<80x64xf32, #tpu.memory_space<vmem>>, vector<1x16xf32>,
        %get3A_177 = vector.shape_cast %get3A_176 : vector<1x16xf32> to vector<16xf32>
        %add3A_178 = arith.addf %add3A_173, %get3A_177 : vector<16xf32>
        %max3A_179 = arith.constant 0.000000e+00 : f32
        %max3A_180 = vector.broadcast %max3A_179 : f32 to vector<16xf32>
        %max3A_181 = arith.maximumf %add3A_178, %max3A_180 : vector<16xf32>
        %swap3A_182 = arith.index_cast %scan3A_92 : i32 to index
        %swap3A_183 = arith.constant 48 : index
        %swap3A_184 = tpu.vector_load %arg16[%swap3A_182, %swap3A_183] {strides = array<i32>} : memref<80x128xf32, #tpu.memory_space<vmem>>, vector<1x16xf32>,
        %swap3A_185 = vector.shape_cast %swap3A_184 : vector<1x16xf32> to vector<16xf32>
        %swap3A_186 = vector.shape_cast %max3A_181 : vector<16xf32> to vector<1x16xf32>
        tpu.vector_store %arg16[%swap3A_182, %swap3A_183], %swap3A_186 {strides = array<i32>} : memref<80x128xf32, #tpu.memory_space<vmem>>, vector<1x16xf32>,
        %scan3A_187 = arith.constant 0 : i32
        scf.yield %scan3A_187 : i32
      }
      %scan3A_83 = arith.constant 80 : i32
      %scan3A_84 = arith.constant 0 : i32
      %scan3A_85 = arith.constant 0 : i32
      %scan3A_86 = arith.constant 5 : i32
      %scan3A_87 = arith.addi %scan3A_85, %scan3A_86 : i32
      %scan3A_88 = arith.constant 1 : i32
      %scan3A_89 = scf.for %scan3A_92 = %scan3A_85 to %scan3A_87 step %scan3A_88 iter_args(%scan3A_93 = %scan3A_84) -> (i32)  : i32 {
        %mul3A_94 = arith.constant 16 : i32
        %mul3A_95 = arith.muli %scan3A_92, %mul3A_94 : i32
        %get3A = arith.index_cast %mul3A_95 : i32 to index
        %get3A_96 = tpu.vector_load %arg12[%get3A] {strides = array<i32>} : memref<80xi32, #tpu.memory_space<vmem>>, vector<16xi32>,
        %get3A_97 = vector.shape_cast %get3A_96 : vector<16xi32> to vector<16xi32>
        %add3A_98 = vector.broadcast %mul3A_11 : i32 to vector<16xi32>
        %add3A_99 = arith.addi %get3A_97, %add3A_98 : vector<16xi32>
        %swap3A = arith.index_cast %mul3A_95 : i32 to index
        %swap3A_100 = tpu.vector_load %arg12[%swap3A] {strides = array<i32>} : memref<80xi32, #tpu.memory_space<vmem>>, vector<16xi32>,
        %swap3A_101 = vector.shape_cast %swap3A_100 : vector<16xi32> to vector<16xi32>
        %swap3A_102 = vector.shape_cast %add3A_99 : vector<16xi32> to vector<16xi32>
        tpu.vector_store %arg12[%swap3A], %swap3A_102 {strides = array<i32>} : memref<80xi32, #tpu.memory_space<vmem>>, vector<16xi32>,
        %scan3A_103 = arith.constant 0 : i32
        scf.yield %scan3A_103 : i32
      }
      %scan3A_90 = arith.constant 5 : i32
      "tpu.region"() ({
        %run_scoped3A = tpu.sem_alloc : memref<!tpu.dma_semaphore, #tpu.memory_space<semaphore_mem>>
        %dma_start3A_92 = arith.constant 0 : i32
        %dma_start3A_93 = arith.constant 0 : i32
        %dma_start3A_94 = tpu.memref_slice %arg17[%dma_start3A_92, %dma_start3A_93] : memref<256x128xf32, #tpu.memory_space<vmem_shared>> -> memref<256x128xf32, #tpu.memory_space<vmem_shared>>
        tpu.enqueue_indirect_dma source(%arg16 : memref<80x128xf32, #tpu.memory_space<vmem>>) target(%dma_start3A_94 : memref<256x128xf32, #tpu.memory_space<vmem_shared>>) offsets(%arg12 : memref<80xi32, #tpu.memory_space<vmem>>) semaphore(%run_scoped3A : memref<!tpu.dma_semaphore, #tpu.memory_space<semaphore_mem>>) {add = true}
        %dma_wait3A_95 = arith.constant 0 : i32
        %dma_wait3A_96 = arith.constant 0 : i32
        %dma_wait3A_97 = tpu.memref_slice %arg17[%dma_wait3A_95, %dma_wait3A_96] : memref<256x128xf32, #tpu.memory_space<vmem_shared>> -> memref<256x128xf32, #tpu.memory_space<vmem_shared>>
        tpu.wait_indirect_dma semaphore(%run_scoped3A : memref<!tpu.dma_semaphore, #tpu.memory_space<semaphore_mem>>) src(%arg16 : memref<80x128xf32, #tpu.memory_space<vmem>>) dst(%dma_wait3A_97 : memref<256x128xf32, #tpu.memory_space<vmem_shared>>)
        tpu.yield
      }) : () -> ()
      %scan3A_91 = arith.constant 0 : i32
      scf.yield %scan3A_91 : i32
    }
    %scan3A_20 = arith.constant 250 : i32
    %barrier3A_21 = arith.constant 0 : index
    tpu.barrier barrier_id(%barrier3A_21)
    %eq3A_22 = arith.constant 0 : i32
    %eq3A_23 = arith.cmpi eq, %arg1, %eq3A_22 : i32
    %convert_element_type3A_24 = arith.extui %eq3A_23 : i1 to i32
    %cond3A_25 = arith.constant 0 : i32
    %cond3A_26 = arith.cmpi ne, %convert_element_type3A_24, %cond3A_25 : i32
    scf.if %cond3A_26 {
      "tpu.region"() ({
        %run_scoped3A = tpu.sem_alloc : memref<!tpu.dma_semaphore, #tpu.memory_space<semaphore_mem>>
        %dma_start3A = arith.constant 0 : i32
        %dma_start3A_27 = arith.constant 0 : i32
        %dma_start3A_28 = tpu.memref_slice %arg9[%arg0, %dma_start3A, %dma_start3A_27] : memref<2x256x128xf32, #tpu.memory_space<hbm>> -> memref<1x256x128xf32, #tpu.memory_space<hbm>>
        %dma_start3A_29 = tpu.memref_squeeze %dma_start3A_28 : memref<1x256x128xf32, #tpu.memory_space<hbm>> -> memref<256x128xf32, #tpu.memory_space<hbm>>
        tpu.enqueue_dma source(%arg17 : memref<256x128xf32, #tpu.memory_space<vmem_shared>>) target(%dma_start3A_29 : memref<256x128xf32, #tpu.memory_space<hbm>>) target_semaphore(%run_scoped3A : memref<!tpu.dma_semaphore, #tpu.memory_space<semaphore_mem>>)
        %dma_wait3A = arith.constant 0 : i32
        %dma_wait3A_30 = arith.constant 0 : i32
        %dma_wait3A_31 = tpu.memref_slice %arg9[%arg0, %dma_wait3A, %dma_wait3A_30] : memref<2x256x128xf32, #tpu.memory_space<hbm>> -> memref<1x256x128xf32, #tpu.memory_space<hbm>>
        %dma_wait3A_32 = tpu.memref_squeeze %dma_wait3A_31 : memref<1x256x128xf32, #tpu.memory_space<hbm>> -> memref<256x128xf32, #tpu.memory_space<hbm>>
        tpu.wait_dma2 semaphore(%run_scoped3A : memref<!tpu.dma_semaphore, #tpu.memory_space<semaphore_mem>>) src(%arg17 : memref<256x128xf32, #tpu.memory_space<vmem_shared>>) dst(%dma_wait3A_32 : memref<256x128xf32, #tpu.memory_space<hbm>>)
        tpu.yield
      }) : () -> ()
    } else {
    }
    return
  }
}

module attributes {stable_mosaic.version = 14 : i64} {
  func.func @_t1_body(%arg0: memref<10000x128xf32, #tpu.memory_space<vmem>>, %arg1: memref<128x128xf32, #tpu.memory_space<vmem>>, %arg2: memref<1x128xf32, #tpu.memory_space<vmem>>, %arg3: memref<128x128xf32, #tpu.memory_space<vmem>>, %arg4: memref<1x128xf32, #tpu.memory_space<vmem>>, %arg5: memref<128x128xf32, #tpu.memory_space<vmem>>, %arg6: memref<1x128xf32, #tpu.memory_space<vmem>>, %arg7: memref<128x384xf32, #tpu.memory_space<vmem>>, %arg8: memref<1x384xf32, #tpu.memory_space<vmem>>, %arg9: memref<128x128xf32, #tpu.memory_space<vmem>>, %arg10: memref<128x128xf32, #tpu.memory_space<vmem>>, %arg11: memref<1x10000xi32, #tpu.memory_space<vmem>>, %arg12: memref<10000x128xf32, #tpu.memory_space<vmem>>, %arg13: memref<10000x128xf32, #tpu.memory_space<vmem>>, %arg14: memref<10000x128xf32, #tpu.memory_space<vmem>>, %arg15: memref<128x384xf32, #tpu.memory_space<vmem>>, %arg16: memref<1x384xf32, #tpu.memory_space<vmem>>, %arg17: memref<64x1xi32, #tpu.memory_space<vmem>>) attributes {dimension_semantics = [], scalar_prefetch = 0 : i64, scratch_operands = 0 : i64, tpu.core_type = #tpu.core_type<tc>} {
    %get3A = arith.constant 0 : index
    %get3A_0 = arith.constant 0 : index
    %get3A_1 = vector.load %arg0[%get3A, %get3A_0] : memref<10000x128xf32, #tpu.memory_space<vmem>>, vector<10000x128xf32>
    %get3A_2 = arith.constant 0 : index
    %get3A_3 = arith.constant 0 : index
    %get3A_4 = vector.load %arg1[%get3A_2, %get3A_3] : memref<128x128xf32, #tpu.memory_space<vmem>>, vector<128x128xf32>
    %dot_general3A = arith.constant dense<0.000000e+00> : vector<10000x128xf32>
    %dot_general3A_5 = tpu.matmul %get3A_1, %get3A_4, %dot_general3A {dimension_numbers = #tpu.dot_dimension_numbers<[1], [0], [0], [1], [0, 0, 1, 1], [], []>, transpose_lhs_hint = false} : vector<10000x128xf32>, vector<128x128xf32>, vector<10000x128xf32> -> vector<10000x128xf32>
    %get3A_6 = arith.constant 0 : index
    %get3A_7 = arith.constant 0 : index
    %get3A_8 = vector.load %arg2[%get3A_6, %get3A_7] : memref<1x128xf32, #tpu.memory_space<vmem>>, vector<1x128xf32>
    %add3A = vector.broadcast %get3A_8 : vector<1x128xf32> to vector<10000x128xf32>
    %add3A_9 = arith.addf %dot_general3A_5, %add3A : vector<10000x128xf32>
    %max3A = arith.constant 0.000000e+00 : f32
    %max3A_10 = vector.broadcast %max3A : f32 to vector<10000x128xf32>
    %max3A_11 = arith.maximumf %add3A_9, %max3A_10 : vector<10000x128xf32>
    %get3A_12 = arith.constant 0 : index
    %get3A_13 = arith.constant 0 : index
    %get3A_14 = vector.load %arg3[%get3A_12, %get3A_13] : memref<128x128xf32, #tpu.memory_space<vmem>>, vector<128x128xf32>
    %dot_general3A_15 = arith.constant dense<0.000000e+00> : vector<10000x128xf32>
    %dot_general3A_16 = tpu.matmul %max3A_11, %get3A_14, %dot_general3A_15 {dimension_numbers = #tpu.dot_dimension_numbers<[1], [0], [0], [1], [0, 0, 1, 1], [], []>, transpose_lhs_hint = false} : vector<10000x128xf32>, vector<128x128xf32>, vector<10000x128xf32> -> vector<10000x128xf32>
    %get3A_17 = arith.constant 0 : index
    %get3A_18 = arith.constant 0 : index
    %get3A_19 = vector.load %arg4[%get3A_17, %get3A_18] : memref<1x128xf32, #tpu.memory_space<vmem>>, vector<1x128xf32>
    %add3A_20 = vector.broadcast %get3A_19 : vector<1x128xf32> to vector<10000x128xf32>
    %add3A_21 = arith.addf %dot_general3A_16, %add3A_20 : vector<10000x128xf32>
    %swap3A = arith.constant 0 : index
    %swap3A_22 = arith.constant 0 : index
    %swap3A_23 = vector.load %arg12[%swap3A, %swap3A_22] : memref<10000x128xf32, #tpu.memory_space<vmem>>, vector<10000x128xf32>
    tpu.vector_store %arg12[%swap3A, %swap3A_22], %add3A_21 {strides = array<i32>} : memref<10000x128xf32, #tpu.memory_space<vmem>>, vector<10000x128xf32>,
    %iota3A = tpu.iota {dimensions = array<i32: 0>} : vector<64x10000xi32>
    %get3A_24 = arith.constant 0 : index
    %get3A_25 = arith.constant 0 : index
    %get3A_26 = vector.load %arg11[%get3A_24, %get3A_25] : memref<1x10000xi32, #tpu.memory_space<vmem>>, vector<1x10000xi32>
    %eq3A = vector.broadcast %get3A_26 : vector<1x10000xi32> to vector<64x10000xi32>
    %eq3A_27 = arith.cmpi eq, %iota3A, %eq3A : vector<64x10000xi32>
    %convert_element_type3A = arith.extui %eq3A_27 : vector<64x10000xi1> to vector<64x10000xi32>
    %convert_element_type3A_28 = arith.sitofp %convert_element_type3A : vector<64x10000xi32> to vector<64x10000xf32>
    %broadcast_in_dim3A = arith.constant 1.000000e+00 : f32
    %broadcast_in_dim3A_29 = vector.broadcast %broadcast_in_dim3A : f32 to vector<10000x1xf32>
    %dot_general3A_30 = arith.constant dense<0.000000e+00> : vector<64x1xf32>
    %dot_general3A_31 = tpu.matmul %convert_element_type3A_28, %broadcast_in_dim3A_29, %dot_general3A_30 {dimension_numbers = #tpu.dot_dimension_numbers<[1], [0], [0], [1], [0, 0, 1, 1], [], []>, transpose_lhs_hint = false} : vector<64x10000xf32>, vector<10000x1xf32>, vector<64x1xf32> -> vector<64x1xf32>
    %iota3A_32 = tpu.iota {dimensions = array<i32: 0>} : vector<64x64xi32>
    %iota3A_33 = tpu.iota {dimensions = array<i32: 1>} : vector<64x64xi32>
    %gt3A = arith.cmpi sgt, %iota3A_32, %iota3A_33 : vector<64x64xi32>
    %convert_element_type3A_34 = arith.extui %gt3A : vector<64x64xi1> to vector<64x64xi32>
    %convert_element_type3A_35 = arith.sitofp %convert_element_type3A_34 : vector<64x64xi32> to vector<64x64xf32>
    %dot_general3A_36 = arith.constant dense<0.000000e+00> : vector<64x1xf32>
    %dot_general3A_37 = tpu.matmul %convert_element_type3A_35, %dot_general3A_31, %dot_general3A_36 {dimension_numbers = #tpu.dot_dimension_numbers<[1], [0], [0], [1], [0, 0, 1, 1], [], []>, transpose_lhs_hint = false} : vector<64x64xf32>, vector<64x1xf32>, vector<64x1xf32> -> vector<64x1xf32>
    %convert_element_type3A_38 = arith.fptosi %dot_general3A_37 : vector<64x1xf32> to vector<64x1xi32>
    %swap3A_39 = arith.constant 0 : index
    %swap3A_40 = arith.constant 0 : index
    %swap3A_41 = vector.load %arg17[%swap3A_39, %swap3A_40] : memref<64x1xi32, #tpu.memory_space<vmem>>, vector<64x1xi32>
    tpu.vector_store %arg17[%swap3A_39, %swap3A_40], %convert_element_type3A_38 {strides = array<i32>} : memref<64x1xi32, #tpu.memory_space<vmem>>, vector<64x1xi32>,
    %get3A_42 = arith.constant 0 : index
    %get3A_43 = arith.constant 0 : index
    %get3A_44 = vector.load %arg5[%get3A_42, %get3A_43] : memref<128x128xf32, #tpu.memory_space<vmem>>, vector<128x128xf32>
    %get3A_45 = arith.constant 0 : index
    %get3A_46 = arith.constant 0 : index
    %get3A_47 = vector.load %arg7[%get3A_45, %get3A_46] : memref<128x384xf32, #tpu.memory_space<vmem>>, vector<128x384xf32>
    %dot_general3A_48 = arith.constant dense<0.000000e+00> : vector<128x384xf32>
    %dot_general3A_49 = tpu.matmul %get3A_44, %get3A_47, %dot_general3A_48 {dimension_numbers = #tpu.dot_dimension_numbers<[1], [0], [0], [1], [0, 0, 1, 1], [], []>, transpose_lhs_hint = false} : vector<128x128xf32>, vector<128x384xf32>, vector<128x384xf32> -> vector<128x384xf32>
    %swap3A_50 = arith.constant 0 : index
    %swap3A_51 = arith.constant 0 : index
    %swap3A_52 = vector.load %arg15[%swap3A_50, %swap3A_51] : memref<128x384xf32, #tpu.memory_space<vmem>>, vector<128x384xf32>
    tpu.vector_store %arg15[%swap3A_50, %swap3A_51], %dot_general3A_49 {strides = array<i32>} : memref<128x384xf32, #tpu.memory_space<vmem>>, vector<128x384xf32>,
    %get3A_53 = arith.constant 0 : index
    %get3A_54 = arith.constant 0 : index
    %get3A_55 = vector.load %arg6[%get3A_53, %get3A_54] : memref<1x128xf32, #tpu.memory_space<vmem>>, vector<1x128xf32>
    %get3A_56 = arith.constant 0 : index
    %get3A_57 = arith.constant 0 : index
    %get3A_58 = vector.load %arg7[%get3A_56, %get3A_57] : memref<128x384xf32, #tpu.memory_space<vmem>>, vector<128x384xf32>
    %dot_general3A_59 = arith.constant dense<0.000000e+00> : vector<1x384xf32>
    %dot_general3A_60 = tpu.matmul %get3A_55, %get3A_58, %dot_general3A_59 {dimension_numbers = #tpu.dot_dimension_numbers<[1], [0], [0], [1], [0, 0, 1, 1], [], []>, transpose_lhs_hint = false} : vector<1x128xf32>, vector<128x384xf32>, vector<1x384xf32> -> vector<1x384xf32>
    %get3A_61 = arith.constant 0 : index
    %get3A_62 = arith.constant 0 : index
    %get3A_63 = vector.load %arg8[%get3A_61, %get3A_62] : memref<1x384xf32, #tpu.memory_space<vmem>>, vector<1x384xf32>
    %add3A_64 = arith.addf %dot_general3A_60, %get3A_63 : vector<1x384xf32>
    %swap3A_65 = arith.constant 0 : index
    %swap3A_66 = arith.constant 0 : index
    %swap3A_67 = vector.load %arg16[%swap3A_65, %swap3A_66] : memref<1x384xf32, #tpu.memory_space<vmem>>, vector<1x384xf32>
    tpu.vector_store %arg16[%swap3A_65, %swap3A_66], %add3A_64 {strides = array<i32>} : memref<1x384xf32, #tpu.memory_space<vmem>>, vector<1x384xf32>,
    %get3A_68 = arith.constant 0 : index
    %get3A_69 = arith.constant 0 : index
    %get3A_70 = vector.load %arg9[%get3A_68, %get3A_69] : memref<128x128xf32, #tpu.memory_space<vmem>>, vector<128x128xf32>
    %dot_general3A_71 = arith.constant dense<0.000000e+00> : vector<10000x128xf32>
    %dot_general3A_72 = tpu.matmul %add3A_21, %get3A_70, %dot_general3A_71 {dimension_numbers = #tpu.dot_dimension_numbers<[1], [0], [0], [1], [0, 0, 1, 1], [], []>, transpose_lhs_hint = false} : vector<10000x128xf32>, vector<128x128xf32>, vector<10000x128xf32> -> vector<10000x128xf32>
    %slice3A = vector.extract_strided_slice %add3A_64 {offsets = [0, 0], sizes = [1, 128], strides = [1, 1]} : vector<1x384xf32> to vector<1x128xf32>
    %add3A_73 = vector.broadcast %slice3A : vector<1x128xf32> to vector<10000x128xf32>
    %add3A_74 = arith.addf %dot_general3A_72, %add3A_73 : vector<10000x128xf32>
    %swap3A_75 = arith.constant 0 : index
    %swap3A_76 = arith.constant 0 : index
    %swap3A_77 = vector.load %arg13[%swap3A_75, %swap3A_76] : memref<10000x128xf32, #tpu.memory_space<vmem>>, vector<10000x128xf32>
    tpu.vector_store %arg13[%swap3A_75, %swap3A_76], %add3A_74 {strides = array<i32>} : memref<10000x128xf32, #tpu.memory_space<vmem>>, vector<10000x128xf32>,
    %get3A_78 = arith.constant 0 : index
    %get3A_79 = arith.constant 0 : index
    %get3A_80 = vector.load %arg10[%get3A_78, %get3A_79] : memref<128x128xf32, #tpu.memory_space<vmem>>, vector<128x128xf32>
    %dot_general3A_81 = arith.constant dense<0.000000e+00> : vector<10000x128xf32>
    %dot_general3A_82 = tpu.matmul %add3A_21, %get3A_80, %dot_general3A_81 {dimension_numbers = #tpu.dot_dimension_numbers<[1], [0], [0], [1], [0, 0, 1, 1], [], []>, transpose_lhs_hint = false} : vector<10000x128xf32>, vector<128x128xf32>, vector<10000x128xf32> -> vector<10000x128xf32>
    %swap3A_83 = arith.constant 0 : index
    %swap3A_84 = arith.constant 0 : index
    %swap3A_85 = vector.load %arg14[%swap3A_83, %swap3A_84] : memref<10000x128xf32, #tpu.memory_space<vmem>>, vector<10000x128xf32>
    tpu.vector_store %arg14[%swap3A_83, %swap3A_84], %dot_general3A_82 {strides = array<i32>} : memref<10000x128xf32, #tpu.memory_space<vmem>>, vector<10000x128xf32>,
    return
  }
}

module attributes {stable_mosaic.version = 14 : i64} {
  func.func @_te_body(%arg0: i32, %arg1: memref<4000x16xf32, #tpu.memory_space<vmem>>, %arg2: memref<16x128xf32, #tpu.memory_space<vmem>>, %arg3: memref<1x128xf32, #tpu.memory_space<vmem>>, %arg4: memref<128x384xf32, #tpu.memory_space<vmem>>, %arg5: memref<1x1x4000xi32, #tpu.memory_space<vmem>>, %arg6: memref<64x1xi32, #tpu.memory_space<vmem>>, %arg7: memref<2x4000x128xf32, #tpu.memory_space<vmem>>, %arg8: memref<2x4000x64xf32, #tpu.memory_space<vmem>>, %arg9: memref<1x1x4000xi32, #tpu.memory_space<vmem>>) attributes {dimension_semantics = [#tpu.dimension_semantics<arbitrary>], iteration_bounds = array<i64: 80>, scalar_prefetch = 0 : i64, scratch_operands = 0 : i64, tpu.core_type = #tpu.core_type<tc>, window_params = [{transform_indices = @transform_0, window_bounds = array<i64: 4000, 16>}, {pipeline_mode = #tpu.pipeline_mode<synchronous>, transform_indices = @transform_1, window_bounds = array<i64: 16, 128>}, {pipeline_mode = #tpu.pipeline_mode<synchronous>, transform_indices = @transform_2, window_bounds = array<i64: 1, 128>}, {pipeline_mode = #tpu.pipeline_mode<synchronous>, transform_indices = @transform_3, window_bounds = array<i64: 128, 384>}, {transform_indices = @transform_4, window_bounds = array<i64: 1, 1, 4000>}, {pipeline_mode = #tpu.pipeline_mode<synchronous>, transform_indices = @transform_5, window_bounds = array<i64: 64, 1>}, {transform_indices = @transform_6, window_bounds = array<i64: 2, 4000, 128>}, {transform_indices = @transform_7, window_bounds = array<i64: 2, 4000, 64>}, {transform_indices = @transform_8, window_bounds = array<i64: 1, 1, 4000>}]} {
    %get3A = arith.constant 0 : index
    %get3A_0 = arith.constant 0 : index
    %get3A_1 = vector.load %arg1[%get3A, %get3A_0] : memref<4000x16xf32, #tpu.memory_space<vmem>>, vector<4000x16xf32>
    %get3A_2 = arith.constant 0 : index
    %get3A_3 = arith.constant 0 : index
    %get3A_4 = vector.load %arg2[%get3A_2, %get3A_3] : memref<16x128xf32, #tpu.memory_space<vmem>>, vector<16x128xf32>
    %dot_general3A = arith.constant dense<0.000000e+00> : vector<4000x128xf32>
    %dot_general3A_5 = tpu.matmul %get3A_1, %get3A_4, %dot_general3A {dimension_numbers = #tpu.dot_dimension_numbers<[1], [0], [0], [1], [0, 0, 1, 1], [], []>, transpose_lhs_hint = false} : vector<4000x16xf32>, vector<16x128xf32>, vector<4000x128xf32> -> vector<4000x128xf32>
    %get3A_6 = arith.constant 0 : index
    %get3A_7 = arith.constant 0 : index
    %get3A_8 = vector.load %arg3[%get3A_6, %get3A_7] : memref<1x128xf32, #tpu.memory_space<vmem>>, vector<1x128xf32>
    %add3A = vector.broadcast %get3A_8 : vector<1x128xf32> to vector<4000x128xf32>
    %add3A_9 = arith.addf %dot_general3A_5, %add3A : vector<4000x128xf32>
    %max3A = arith.constant 0.000000e+00 : f32
    %max3A_10 = vector.broadcast %max3A : f32 to vector<4000x128xf32>
    %max3A_11 = arith.maximumf %add3A_9, %max3A_10 : vector<4000x128xf32>
    %get3A_12 = arith.constant 0 : index
    %get3A_13 = arith.constant 0 : index
    %get3A_14 = vector.load %arg4[%get3A_12, %get3A_13] : memref<128x384xf32, #tpu.memory_space<vmem>>, vector<128x384xf32>
    %dot_general3A_15 = arith.constant dense<0.000000e+00> : vector<4000x384xf32>
    %dot_general3A_16 = tpu.matmul %max3A_11, %get3A_14, %dot_general3A_15 {dimension_numbers = #tpu.dot_dimension_numbers<[1], [0], [0], [1], [0, 0, 1, 1], [], []>, transpose_lhs_hint = false} : vector<4000x128xf32>, vector<128x384xf32>, vector<4000x384xf32> -> vector<4000x384xf32>
    %slice3A = vector.extract_strided_slice %dot_general3A_16 {offsets = [0, 0], sizes = [4000, 128], strides = [1, 1]} : vector<4000x384xf32> to vector<4000x128xf32>
    %swap3A = arith.constant 0 : index
    %swap3A_17 = arith.constant 0 : index
    %swap3A_18 = arith.constant 0 : index
    %swap3A_19 = vector.load %arg7[%swap3A, %swap3A_17, %swap3A_18] : memref<2x4000x128xf32, #tpu.memory_space<vmem>>, vector<1x4000x128xf32>
    %swap3A_20 = vector.shape_cast %swap3A_19 : vector<1x4000x128xf32> to vector<4000x128xf32>
    %swap3A_21 = vector.shape_cast %slice3A : vector<4000x128xf32> to vector<1x4000x128xf32>
    tpu.vector_store %arg7[%swap3A, %swap3A_17, %swap3A_18], %swap3A_21 {strides = array<i32>} : memref<2x4000x128xf32, #tpu.memory_space<vmem>>, vector<1x4000x128xf32>,
    %slice3A_22 = vector.extract_strided_slice %dot_general3A_16 {offsets = [0, 128], sizes = [4000, 128], strides = [1, 1]} : vector<4000x384xf32> to vector<4000x128xf32>
    %swap3A_23 = arith.constant 1 : index
    %swap3A_24 = arith.constant 0 : index
    %swap3A_25 = arith.constant 0 : index
    %swap3A_26 = vector.load %arg7[%swap3A_23, %swap3A_24, %swap3A_25] : memref<2x4000x128xf32, #tpu.memory_space<vmem>>, vector<1x4000x128xf32>
    %swap3A_27 = vector.shape_cast %swap3A_26 : vector<1x4000x128xf32> to vector<4000x128xf32>
    %swap3A_28 = vector.shape_cast %slice3A_22 : vector<4000x128xf32> to vector<1x4000x128xf32>
    tpu.vector_store %arg7[%swap3A_23, %swap3A_24, %swap3A_25], %swap3A_28 {strides = array<i32>} : memref<2x4000x128xf32, #tpu.memory_space<vmem>>, vector<1x4000x128xf32>,
    %slice3A_29 = vector.extract_strided_slice %dot_general3A_16 {offsets = [0, 256], sizes = [4000, 64], strides = [1, 1]} : vector<4000x384xf32> to vector<4000x64xf32>
    %swap3A_30 = arith.constant 0 : index
    %swap3A_31 = arith.constant 0 : index
    %swap3A_32 = arith.constant 0 : index
    %swap3A_33 = vector.load %arg8[%swap3A_30, %swap3A_31, %swap3A_32] : memref<2x4000x64xf32, #tpu.memory_space<vmem>>, vector<1x4000x64xf32>
    %swap3A_34 = vector.shape_cast %swap3A_33 : vector<1x4000x64xf32> to vector<4000x64xf32>
    %swap3A_35 = vector.shape_cast %slice3A_29 : vector<4000x64xf32> to vector<1x4000x64xf32>
    tpu.vector_store %arg8[%swap3A_30, %swap3A_31, %swap3A_32], %swap3A_35 {strides = array<i32>} : memref<2x4000x64xf32, #tpu.memory_space<vmem>>, vector<1x4000x64xf32>,
    %slice3A_36 = vector.extract_strided_slice %dot_general3A_16 {offsets = [0, 320], sizes = [4000, 64], strides = [1, 1]} : vector<4000x384xf32> to vector<4000x64xf32>
    %swap3A_37 = arith.constant 1 : index
    %swap3A_38 = arith.constant 0 : index
    %swap3A_39 = arith.constant 0 : index
    %swap3A_40 = vector.load %arg8[%swap3A_37, %swap3A_38, %swap3A_39] : memref<2x4000x64xf32, #tpu.memory_space<vmem>>, vector<1x4000x64xf32>
    %swap3A_41 = vector.shape_cast %swap3A_40 : vector<1x4000x64xf32> to vector<4000x64xf32>
    %swap3A_42 = vector.shape_cast %slice3A_36 : vector<4000x64xf32> to vector<1x4000x64xf32>
    tpu.vector_store %arg8[%swap3A_37, %swap3A_38, %swap3A_39], %swap3A_42 {strides = array<i32>} : memref<2x4000x64xf32, #tpu.memory_space<vmem>>, vector<1x4000x64xf32>,
    %get3A_43 = arith.constant 0 : index
    %get3A_44 = arith.constant 0 : index
    %get3A_45 = arith.constant 0 : index
    %get3A_46 = vector.load %arg5[%get3A_43, %get3A_44, %get3A_45] : memref<1x1x4000xi32, #tpu.memory_space<vmem>>, vector<1x1x4000xi32>
    %get3A_47 = vector.shape_cast %get3A_46 : vector<1x1x4000xi32> to vector<1x4000xi32>
    %get3A_48 = arith.constant 0 : index
    %get3A_49 = arith.constant 0 : index
    %get3A_50 = vector.load %arg6[%get3A_48, %get3A_49] : memref<64x1xi32, #tpu.memory_space<vmem>>, vector<64x1xi32>
    %ge3A = vector.broadcast %get3A_47 : vector<1x4000xi32> to vector<64x4000xi32>
    %ge3A_51 = vector.broadcast %get3A_50 : vector<64x1xi32> to vector<64x4000xi32>
    %ge3A_52 = arith.cmpi sge, %ge3A, %ge3A_51 : vector<64x4000xi32>
    %convert_element_type3A = arith.extui %ge3A_52 : vector<64x4000xi1> to vector<64x4000xi32>
    %reduce_sum3A = arith.constant dense<0> : vector<4000xi32>
    %reduce_sum3A_53 = vector.multi_reduction <add>, %convert_element_type3A, %reduce_sum3A [0] : vector<64x4000xi32> to vector<4000xi32>
    %broadcast_in_dim3A = vector.shape_cast %reduce_sum3A_53 : vector<4000xi32> to vector<1x4000xi32>
    %sub3A = arith.constant 1 : i32
    %sub3A_54 = vector.broadcast %sub3A : i32 to vector<1x4000xi32>
    %sub3A_55 = arith.subi %broadcast_in_dim3A, %sub3A_54 : vector<1x4000xi32>
    %swap3A_56 = arith.constant 0 : index
    %swap3A_57 = arith.constant 0 : index
    %swap3A_58 = arith.constant 0 : index
    %swap3A_59 = vector.load %arg9[%swap3A_56, %swap3A_57, %swap3A_58] : memref<1x1x4000xi32, #tpu.memory_space<vmem>>, vector<1x1x4000xi32>
    %swap3A_60 = vector.shape_cast %swap3A_59 : vector<1x1x4000xi32> to vector<1x4000xi32>
    %swap3A_61 = vector.shape_cast %sub3A_55 : vector<1x4000xi32> to vector<1x1x4000xi32>
    tpu.vector_store %arg9[%swap3A_56, %swap3A_57, %swap3A_58], %swap3A_61 {strides = array<i32>} : memref<1x1x4000xi32, #tpu.memory_space<vmem>>, vector<1x1x4000xi32>,
    return
  }
  func.func @transform_0(%arg0: i32) -> (i32, i32) {
    %c0_i32 = arith.constant 0 : i32
    %c0_i32_0 = arith.constant 0 : i32
    return %arg0, %c0_i32 : i32, i32
  }
  func.func @transform_1(%arg0: i32) -> (i32, i32) {
    %c0_i32 = arith.constant 0 : i32
    %c0_i32_0 = arith.constant 0 : i32
    %c0_i32_1 = arith.constant 0 : i32
    return %c0_i32, %c0_i32_0 : i32, i32
  }
  func.func @transform_2(%arg0: i32) -> (i32, i32) {
    %c0_i32 = arith.constant 0 : i32
    %c0_i32_0 = arith.constant 0 : i32
    %c0_i32_1 = arith.constant 0 : i32
    return %c0_i32, %c0_i32_0 : i32, i32
  }
  func.func @transform_3(%arg0: i32) -> (i32, i32) {
    %c0_i32 = arith.constant 0 : i32
    %c0_i32_0 = arith.constant 0 : i32
    %c0_i32_1 = arith.constant 0 : i32
    return %c0_i32, %c0_i32_0 : i32, i32
  }
  func.func @transform_4(%arg0: i32) -> (i32, i32, i32) {
    %c0_i32 = arith.constant 0 : i32
    %c0_i32_0 = arith.constant 0 : i32
    %c0_i32_1 = arith.constant 0 : i32
    return %arg0, %c0_i32, %c0_i32_0 : i32, i32, i32
  }
  func.func @transform_5(%arg0: i32) -> (i32, i32) {
    %c0_i32 = arith.constant 0 : i32
    %c0_i32_0 = arith.constant 0 : i32
    %c0_i32_1 = arith.constant 0 : i32
    return %c0_i32, %c0_i32_0 : i32, i32
  }
  func.func @transform_6(%arg0: i32) -> (i32, i32, i32) {
    %c0_i32 = arith.constant 0 : i32
    %c0_i32_0 = arith.constant 0 : i32
    %c0_i32_1 = arith.constant 0 : i32
    return %c0_i32, %arg0, %c0_i32_0 : i32, i32, i32
  }
  func.func @transform_7(%arg0: i32) -> (i32, i32, i32) {
    %c0_i32 = arith.constant 0 : i32
    %c0_i32_0 = arith.constant 0 : i32
    %c0_i32_1 = arith.constant 0 : i32
    return %c0_i32, %arg0, %c0_i32_0 : i32, i32, i32
  }
  func.func @transform_8(%arg0: i32) -> (i32, i32, i32) {
    %c0_i32 = arith.constant 0 : i32
    %c0_i32_0 = arith.constant 0 : i32
    %c0_i32_1 = arith.constant 0 : i32
    return %arg0, %c0_i32, %c0_i32_0 : i32, i32, i32
  }
}

module attributes {stable_mosaic.version = 14 : i64} {
  func.func @_tpost_body(%arg0: memref<10000x128xf32, #tpu.memory_space<vmem>>, %arg1: memref<2x2516x128xf32, #tpu.memory_space<vmem>>, %arg2: memref<2x2516x128xf32, #tpu.memory_space<vmem>>, %arg3: memref<10000x1xf32, #tpu.memory_space<vmem>>, %arg4: memref<128x128xf32, #tpu.memory_space<vmem>>, %arg5: memref<1x128xf32, #tpu.memory_space<vmem>>, %arg6: memref<128x128xf32, #tpu.memory_space<vmem>>, %arg7: memref<1x128xf32, #tpu.memory_space<vmem>>, %arg8: memref<128x128xf32, #tpu.memory_space<vmem>>, %arg9: memref<10000x128xf32, #tpu.memory_space<vmem>>, %arg10: memref<10000x128xf32, #tpu.memory_space<vmem>>, %arg11: memref<10000x128xf32, #tpu.memory_space<vmem>>) attributes {dimension_semantics = [], scalar_prefetch = 0 : i64, scratch_operands = 0 : i64, tpu.core_type = #tpu.core_type<tc>} {
    %get3A = arith.constant 0 : index
    %get3A_0 = arith.constant 0 : index
    %get3A_1 = arith.constant 0 : index
    %get3A_2 = vector.load %arg1[%get3A, %get3A_0, %get3A_1] : memref<2x2516x128xf32, #tpu.memory_space<vmem>>, vector<1x2500x128xf32>
    %get3A_3 = vector.shape_cast %get3A_2 : vector<1x2500x128xf32> to vector<2500x128xf32>
    %get3A_4 = arith.constant 1 : index
    %get3A_5 = arith.constant 0 : index
    %get3A_6 = arith.constant 0 : index
    %get3A_7 = vector.load %arg1[%get3A_4, %get3A_5, %get3A_6] : memref<2x2516x128xf32, #tpu.memory_space<vmem>>, vector<1x2500x128xf32>
    %get3A_8 = vector.shape_cast %get3A_7 : vector<1x2500x128xf32> to vector<2500x128xf32>
    %get3A_9 = arith.constant 0 : index
    %get3A_10 = arith.constant 0 : index
    %get3A_11 = arith.constant 0 : index
    %get3A_12 = vector.load %arg2[%get3A_9, %get3A_10, %get3A_11] : memref<2x2516x128xf32, #tpu.memory_space<vmem>>, vector<1x2500x128xf32>
    %get3A_13 = vector.shape_cast %get3A_12 : vector<1x2500x128xf32> to vector<2500x128xf32>
    %get3A_14 = arith.constant 1 : index
    %get3A_15 = arith.constant 0 : index
    %get3A_16 = arith.constant 0 : index
    %get3A_17 = vector.load %arg2[%get3A_14, %get3A_15, %get3A_16] : memref<2x2516x128xf32, #tpu.memory_space<vmem>>, vector<1x2500x128xf32>
    %get3A_18 = vector.shape_cast %get3A_17 : vector<1x2500x128xf32> to vector<2500x128xf32>
    %concatenate3A = tpu.concatenate %get3A_3, %get3A_8, %get3A_13, %get3A_18 in 0 : vector<2500x128xf32>, vector<2500x128xf32>, vector<2500x128xf32>, vector<2500x128xf32> -> vector<10000x128xf32>
    %get3A_19 = arith.constant 0 : index
    %get3A_20 = arith.constant 0 : index
    %get3A_21 = vector.load %arg4[%get3A_19, %get3A_20] : memref<128x128xf32, #tpu.memory_space<vmem>>, vector<128x128xf32>
    %dot_general3A = arith.constant dense<0.000000e+00> : vector<10000x128xf32>
    %dot_general3A_22 = tpu.matmul %concatenate3A, %get3A_21, %dot_general3A {dimension_numbers = #tpu.dot_dimension_numbers<[1], [0], [0], [1], [0, 0, 1, 1], [], []>, transpose_lhs_hint = false} : vector<10000x128xf32>, vector<128x128xf32>, vector<10000x128xf32> -> vector<10000x128xf32>
    %get3A_23 = arith.constant 0 : index
    %get3A_24 = arith.constant 0 : index
    %get3A_25 = vector.load %arg3[%get3A_23, %get3A_24] : memref<10000x1xf32, #tpu.memory_space<vmem>>, vector<10000x1xf32>
    %get3A_26 = arith.constant 0 : index
    %get3A_27 = arith.constant 0 : index
    %get3A_28 = vector.load %arg5[%get3A_26, %get3A_27] : memref<1x128xf32, #tpu.memory_space<vmem>>, vector<1x128xf32>
    %mul3A = vector.broadcast %get3A_25 : vector<10000x1xf32> to vector<10000x128xf32>
    %mul3A_29 = vector.broadcast %get3A_28 : vector<1x128xf32> to vector<10000x128xf32>
    %mul3A_30 = arith.mulf %mul3A, %mul3A_29 : vector<10000x128xf32>
    %add3A = arith.addf %dot_general3A_22, %mul3A_30 : vector<10000x128xf32>
    %get3A_31 = arith.constant 0 : index
    %get3A_32 = arith.constant 0 : index
    %get3A_33 = vector.load %arg0[%get3A_31, %get3A_32] : memref<10000x128xf32, #tpu.memory_space<vmem>>, vector<10000x128xf32>
    %mul3A_34 = arith.constant 2.100000e+00 : f32
    %mul3A_35 = vector.broadcast %mul3A_34 : f32 to vector<10000x128xf32>
    %mul3A_36 = arith.mulf %mul3A_35, %get3A_33 : vector<10000x128xf32>
    %add3A_37 = arith.addf %mul3A_36, %add3A : vector<10000x128xf32>
    %max3A = arith.constant 0.000000e+00 : f32
    %max3A_38 = vector.broadcast %max3A : f32 to vector<10000x128xf32>
    %max3A_39 = arith.maximumf %add3A_37, %max3A_38 : vector<10000x128xf32>
    %swap3A = arith.constant 0 : index
    %swap3A_40 = arith.constant 0 : index
    %swap3A_41 = vector.load %arg9[%swap3A, %swap3A_40] : memref<10000x128xf32, #tpu.memory_space<vmem>>, vector<10000x128xf32>
    tpu.vector_store %arg9[%swap3A, %swap3A_40], %max3A_39 {strides = array<i32>} : memref<10000x128xf32, #tpu.memory_space<vmem>>, vector<10000x128xf32>,
    %get3A_42 = arith.constant 0 : index
    %get3A_43 = arith.constant 0 : index
    %get3A_44 = vector.load %arg6[%get3A_42, %get3A_43] : memref<128x128xf32, #tpu.memory_space<vmem>>, vector<128x128xf32>
    %dot_general3A_45 = arith.constant dense<0.000000e+00> : vector<10000x128xf32>
    %dot_general3A_46 = tpu.matmul %max3A_39, %get3A_44, %dot_general3A_45 {dimension_numbers = #tpu.dot_dimension_numbers<[1], [0], [0], [1], [0, 0, 1, 1], [], []>, transpose_lhs_hint = false} : vector<10000x128xf32>, vector<128x128xf32>, vector<10000x128xf32> -> vector<10000x128xf32>
    %get3A_47 = arith.constant 0 : index
    %get3A_48 = arith.constant 0 : index
    %get3A_49 = vector.load %arg7[%get3A_47, %get3A_48] : memref<1x128xf32, #tpu.memory_space<vmem>>, vector<1x128xf32>
    %add3A_50 = vector.broadcast %get3A_49 : vector<1x128xf32> to vector<10000x128xf32>
    %add3A_51 = arith.addf %dot_general3A_46, %add3A_50 : vector<10000x128xf32>
    %swap3A_52 = arith.constant 0 : index
    %swap3A_53 = arith.constant 0 : index
    %swap3A_54 = vector.load %arg10[%swap3A_52, %swap3A_53] : memref<10000x128xf32, #tpu.memory_space<vmem>>, vector<10000x128xf32>
    tpu.vector_store %arg10[%swap3A_52, %swap3A_53], %add3A_51 {strides = array<i32>} : memref<10000x128xf32, #tpu.memory_space<vmem>>, vector<10000x128xf32>,
    %get3A_55 = arith.constant 0 : index
    %get3A_56 = arith.constant 0 : index
    %get3A_57 = vector.load %arg8[%get3A_55, %get3A_56] : memref<128x128xf32, #tpu.memory_space<vmem>>, vector<128x128xf32>
    %dot_general3A_58 = arith.constant dense<0.000000e+00> : vector<10000x128xf32>
    %dot_general3A_59 = tpu.matmul %max3A_39, %get3A_57, %dot_general3A_58 {dimension_numbers = #tpu.dot_dimension_numbers<[1], [0], [0], [1], [0, 0, 1, 1], [], []>, transpose_lhs_hint = false} : vector<10000x128xf32>, vector<128x128xf32>, vector<10000x128xf32> -> vector<10000x128xf32>
    %swap3A_60 = arith.constant 0 : index
    %swap3A_61 = arith.constant 0 : index
    %swap3A_62 = vector.load %arg11[%swap3A_60, %swap3A_61] : memref<10000x128xf32, #tpu.memory_space<vmem>>, vector<10000x128xf32>
    tpu.vector_store %arg11[%swap3A_60, %swap3A_61], %dot_general3A_59 {strides = array<i32>} : memref<10000x128xf32, #tpu.memory_space<vmem>>, vector<10000x128xf32>,
    return
  }
}

module attributes {stable_mosaic.version = 14 : i64} {
  func.func @_tlast_body(%arg0: memref<10000x128xf32, #tpu.memory_space<vmem>>, %arg1: memref<2x256x128xf32, #tpu.memory_space<vmem>>, %arg2: memref<10000x1xf32, #tpu.memory_space<vmem>>, %arg3: memref<128x128xf32, #tpu.memory_space<vmem>>, %arg4: memref<1x128xf32, #tpu.memory_space<vmem>>, %arg5: memref<1x10000xi32, #tpu.memory_space<vmem>>, %arg6: memref<64x128xf32, #tpu.memory_space<vmem>>) attributes {dimension_semantics = [], scalar_prefetch = 0 : i64, scratch_operands = 0 : i64, tpu.core_type = #tpu.core_type<tc>} {
    %get3A = arith.constant 0 : index
    %get3A_0 = arith.constant 0 : index
    %get3A_1 = arith.constant 0 : index
    %get3A_2 = vector.load %arg1[%get3A, %get3A_0, %get3A_1] : memref<2x256x128xf32, #tpu.memory_space<vmem>>, vector<1x256x64xf32>
    %get3A_3 = vector.shape_cast %get3A_2 : vector<1x256x64xf32> to vector<256x64xf32>
    %reshape3A = vector.shape_cast %get3A_3 : vector<256x64xf32> to vector<4x64x64xf32>
    %reduce_sum3A = arith.constant dense<0.000000e+00> : vector<64x64xf32>
    %reduce_sum3A_4 = vector.multi_reduction <add>, %reshape3A, %reduce_sum3A [0] : vector<4x64x64xf32> to vector<64x64xf32>
    %get3A_5 = arith.constant 1 : index
    %get3A_6 = arith.constant 0 : index
    %get3A_7 = arith.constant 0 : index
    %get3A_8 = vector.load %arg1[%get3A_5, %get3A_6, %get3A_7] : memref<2x256x128xf32, #tpu.memory_space<vmem>>, vector<1x256x64xf32>
    %get3A_9 = vector.shape_cast %get3A_8 : vector<1x256x64xf32> to vector<256x64xf32>
    %reshape3A_10 = vector.shape_cast %get3A_9 : vector<256x64xf32> to vector<4x64x64xf32>
    %reduce_sum3A_11 = arith.constant dense<0.000000e+00> : vector<64x64xf32>
    %reduce_sum3A_12 = vector.multi_reduction <add>, %reshape3A_10, %reduce_sum3A_11 [0] : vector<4x64x64xf32> to vector<64x64xf32>
    %concatenate3A = tpu.concatenate %reduce_sum3A_4, %reduce_sum3A_12 in 1 : vector<64x64xf32>, vector<64x64xf32> -> vector<64x128xf32>
    %get3A_13 = arith.constant 0 : index
    %get3A_14 = arith.constant 0 : index
    %get3A_15 = vector.load %arg0[%get3A_13, %get3A_14] : memref<10000x128xf32, #tpu.memory_space<vmem>>, vector<10000x128xf32>
    %mul3A = arith.constant 1.100000e+00 : f32
    %mul3A_16 = vector.broadcast %mul3A : f32 to vector<10000x128xf32>
    %mul3A_17 = arith.mulf %mul3A_16, %get3A_15 : vector<10000x128xf32>
    %get3A_18 = arith.constant 0 : index
    %get3A_19 = arith.constant 0 : index
    %get3A_20 = vector.load %arg2[%get3A_18, %get3A_19] : memref<10000x1xf32, #tpu.memory_space<vmem>>, vector<10000x1xf32>
    %get3A_21 = arith.constant 0 : index
    %get3A_22 = arith.constant 0 : index
    %get3A_23 = vector.load %arg4[%get3A_21, %get3A_22] : memref<1x128xf32, #tpu.memory_space<vmem>>, vector<1x128xf32>
    %mul3A_24 = vector.broadcast %get3A_20 : vector<10000x1xf32> to vector<10000x128xf32>
    %mul3A_25 = vector.broadcast %get3A_23 : vector<1x128xf32> to vector<10000x128xf32>
    %mul3A_26 = arith.mulf %mul3A_24, %mul3A_25 : vector<10000x128xf32>
    %add3A = arith.addf %mul3A_17, %mul3A_26 : vector<10000x128xf32>
    %iota3A = tpu.iota {dimensions = array<i32: 0>} : vector<64x10000xi32>
    %get3A_27 = arith.constant 0 : index
    %get3A_28 = arith.constant 0 : index
    %get3A_29 = vector.load %arg5[%get3A_27, %get3A_28] : memref<1x10000xi32, #tpu.memory_space<vmem>>, vector<1x10000xi32>
    %eq3A = vector.broadcast %get3A_29 : vector<1x10000xi32> to vector<64x10000xi32>
    %eq3A_30 = arith.cmpi eq, %iota3A, %eq3A : vector<64x10000xi32>
    %convert_element_type3A = arith.extui %eq3A_30 : vector<64x10000xi1> to vector<64x10000xi32>
    %convert_element_type3A_31 = arith.sitofp %convert_element_type3A : vector<64x10000xi32> to vector<64x10000xf32>
    %dot_general3A = arith.constant dense<0.000000e+00> : vector<64x128xf32>
    %dot_general3A_32 = tpu.matmul %convert_element_type3A_31, %add3A, %dot_general3A {dimension_numbers = #tpu.dot_dimension_numbers<[1], [0], [0], [1], [0, 0, 1, 1], [], []>, transpose_lhs_hint = false} : vector<64x10000xf32>, vector<10000x128xf32>, vector<64x128xf32> -> vector<64x128xf32>
    %get3A_33 = arith.constant 0 : index
    %get3A_34 = arith.constant 0 : index
    %get3A_35 = vector.load %arg3[%get3A_33, %get3A_34] : memref<128x128xf32, #tpu.memory_space<vmem>>, vector<128x128xf32>
    %dot_general3A_36 = arith.constant dense<0.000000e+00> : vector<64x128xf32>
    %dot_general3A_37 = tpu.matmul %concatenate3A, %get3A_35, %dot_general3A_36 {dimension_numbers = #tpu.dot_dimension_numbers<[1], [0], [0], [1], [0, 0, 1, 1], [], []>, transpose_lhs_hint = false} : vector<64x128xf32>, vector<128x128xf32>, vector<64x128xf32> -> vector<64x128xf32>
    %add3A_38 = arith.addf %dot_general3A_32, %dot_general3A_37 : vector<64x128xf32>
    %swap3A = arith.constant 0 : index
    %swap3A_39 = arith.constant 0 : index
    %swap3A_40 = vector.load %arg6[%swap3A, %swap3A_39] : memref<64x128xf32, #tpu.memory_space<vmem>>, vector<64x128xf32>
    tpu.vector_store %arg6[%swap3A, %swap3A_39], %add3A_38 {strides = array<i32>} : memref<64x128xf32, #tpu.memory_space<vmem>>, vector<64x128xf32>,
    return
  }
}

</mosaic_0001>

<sc_bundles>
// kernel: body.5.cloned.1.call-start
scs
__scs_entry_jumppad:
0x0: {  	(pc) =	sbr.rel $0x88, $3  }
0x1: {  	(tag) =	ssettag $0x0;
	lr =	simm.s32 $0x1  }
0x2: {  	[smem:$0x3F89] =	sst lr;
	_ =	strace $0xD0000000  }
0x3: {  	_ = 	snop  }
0x4: {  	_ = 	snop  }
0x5: {  	_ = 	snop  }
0x6: {  	_ = 	snop  }
0x7: {  	_ = 	snop  }
__scs_overlays_trampoline_lowered:
0x8: {  	[smem:$0x3F98] =	sst s0  }
0x9: {  	[smem:$0x3F99] =	sst s1  }
0xa: {  	[smem:$0x3F9A] =	sst s2  }
0xb: {  	[smem:$0x3F9B] =	sst s3  }
0xc: {  	[smem:$0x3F9C] =	sst s4  }
0xd: {  	[smem:$0x3F9D] =	sst s5  }
0xe: {  	[smem:$0x3F9E] =	sst s6  }
0xf: {  	[smem:$0x3F9F] =	sst s7  }
0x10: {  	[smem:$0x3FA0] =	sst s8  }
0x11: {  	[smem:$0x3FA1] =	sst s9;
	s0 =	simm.s32 @!p0 $0x0  }
0x12: {  	s1 =	sld [smem:$0x3F87];
	s0 =	simm.s32 @p0 $0x1  }
0x13: {  	[smem:$0x3FA2] =	sst s0;
	s0 =	simm.s32 @!p1 $0x0  }
0x14: {  	s2 =	sld [smem:$0x3F86];
	s0 =	simm.s32 @p1 $0x1  }
0x15: {  	[smem:$0x3FA3] =	sst s0;
	s0 =	simm.s32 @!p2 $0x0  }
0x16: {  	s3 =	sld [smem:$0x3FDB];
	s0 =	simm.s32 @p2 $0x1  }
0x17: {  	s4 =	simm.s32 $0x1BF5;
	[smem:$0x3FA5] =	sst s0  }
0x18: {  	s0 =	sld [smem:$0x3F88];
	_ =	swait.ge [sflag:s4], $0x0  }
0x19: {  	s7 =	sld [smem:$0x3F89]  }
0x1a: {  	s8 =	sadd.s32 $0xFFFFE003, lr  }
0x1b: {  	s9 =	sadd.s32 $0xFFFFFEF7, lr;
	s5 =	simm.s32 $0xFFFFFFFF;
	p2 =	slt.u32 s8, $0xFFFFF086  }
0x1c: {  	p1 =	slt.u32 s9, $0xF7A;
	s5 =	simm.s32 @!p2 $0x0  }
0x1d: {  	s5 =	simm.s32 @p1 $0x1;
	p0 =	seq.s32 s7, s2  }
0x1e: {  	s7 =	smul.u32 @!p0 $0xF7A, s2;
	p2 =	seq.s32 @!p0 s5, $0x0  }
0x1f: {  	s9 =	smul.u32 $0xF7A, s1;
	s8 =	simm.s32 @!p0 $0x1BF5;
	p2 =	por !p2, p0  }
0x20: {  	[sflag:s8] =	ssyncset.s32 @!p0 $0xFFFFF086;
	s6 =	sadd.s32 @!p0 s3, s7;
	s7 =	simm.s32 @!p0 $0x108  }
0x21: {  	s3 =	sadd.s32 s3, s9;
	s6 =	sadd.s32 @!p0 $0x88, s6;
	s7 =	simm.s32 @p2 $0x1082  }
0x22: {  	[simem:s7], [sflag:s8] =	dma.local @!p0 [hbm:s6], $0xF7A  }
0x23: {  	s9 =	sor.u32 $0xD0000000, s2;
	s6 =	simm.s32 $0x108;
	_ =	swait.ge @!p0 [sflag:s8], $0x0  }
0x24: {  	s3 =	sadd.s32 $0x88, s3;
	s6 =	simm.s32 @!p1 $0x1082;
	[sflag:s4] =	ssyncset.s32 $0xFFFFF086  }
0x25: {  	[simem:s6], [sflag:s4] =	dma.local [hbm:s3], $0xF7A  }
0x26: {  	[smem:$0x3F89] =	sst s1;
	(tag) =	ssettag s2;
	_ =	strace s9  }
0x27: {  	s1 =	sld [smem:$0x3F99]  }
0x28: {  	s2 =	sld [smem:$0x3F9A]  }
0x29: {  	s4 =	sld [smem:$0x3F9C]  }
0x2a: {  	p0 =	seq.s32 s5, $0x0;
	s5 =	sld [smem:$0x3F9D]  }
0x2b: {  	s6 =	sld [smem:$0x3F9E]  }
0x2c: {  	s7 =	sld [smem:$0x3F9F]  }
0x2d: {  	s3 =	simm.s32 $0x108;
	s8 =	sld [smem:$0x3FA0]  }
0x2e: {  	s3 =	simm.s32 @!p0 $0x1082;
	s9 =	sld [smem:$0x3FA1]  }
0x2f: {  	lr =	sadd.s32 s0, s3;
	s0 =	sld [smem:$0x3F98]  }
0x30: {  	s3 =	sld [smem:$0x3F9B]  }
0x31: {  	[smem:$0x3FA4] =	sst s10  }
0x32: {  	s10 =	sld [smem:$0x3FA2];
	_ =	sdelay $0x3  }
0x33: {  	p0 =	seq.s32 s10, $0x1;
	s10 =	sld [smem:$0x3FA4];
	_ =	sdelay $0x3  }
0x34: {  	[smem:$0x3FA4] =	sst s10  }
0x35: {  	s10 =	sld [smem:$0x3FA3];
	_ =	sdelay $0x3  }
0x36: {  	p1 =	seq.s32 s10, $0x1;
	s10 =	sld [smem:$0x3FA4];
	_ =	sdelay $0x3  }
0x37: {  	[smem:$0x3FA4] =	sst s10  }
0x38: {  	s10 =	sld [smem:$0x3FA5]  }
0x39: {  	_ = 	snop;
	(pc) =	sbr.ind lr, $3  }
0x3a: {  	_ = 	snop  }
0x3b: {  	_ = 	snop  }
0x3c: {  	p2 =	seq.s32 s10, $0x1;
	s10 =	sld [smem:$0x3FA4]  }
0x3d: {  	_ =	shalt  }
0x3e: {  	_ =	shalt  }
0x3f: {  	_ =	shalt  }
0x40: {  	_ =	shalt  }
0x41: {  	_ =	shalt  }
0x42: {  	_ =	shalt  }
0x43: {  	_ =	shalt  }
0x44: {  	_ =	shalt  }
0x45: {  	_ =	shalt  }
0x46: {  	_ =	shalt  }
0x47: {  	_ =	shalt  }
0x48: {  	_ =	shalt  }
0x49: {  	_ =	shalt  }
0x4a: {  	_ =	shalt  }
0x4b: {  	_ =	shalt  }
0x4c: {  	_ =	shalt  }
0x4d: {  	_ =	shalt  }
0x4e: {  	_ =	shalt  }
0x4f: {  	_ =	shalt  }
0x50: {  	_ =	shalt  }
0x51: {  	_ =	shalt  }
0x52: {  	_ =	shalt  }
0x53: {  	_ =	shalt  }
0x54: {  	_ =	shalt  }
0x55: {  	_ =	shalt  }
0x56: {  	_ =	shalt  }
0x57: {  	_ =	shalt  }
0x58: {  	_ =	shalt  }
0x59: {  	_ =	shalt  }
0x5a: {  	_ =	shalt  }
0x5b: {  	_ =	shalt  }
0x5c: {  	_ =	shalt  }
0x5d: {  	_ =	shalt  }
0x5e: {  	_ =	shalt  }
0x5f: {  	_ =	shalt  }
0x60: {  	_ =	shalt  }
0x61: {  	_ =	shalt  }
0x62: {  	_ =	shalt  }
0x63: {  	_ =	shalt  }
0x64: {  	_ =	shalt  }
0x65: {  	_ =	shalt  }
0x66: {  	_ =	shalt  }
0x67: {  	_ =	shalt  }
0x68: {  	_ =	shalt  }
0x69: {  	_ =	shalt  }
0x6a: {  	_ =	shalt  }
0x6b: {  	_ =	shalt  }
0x6c: {  	_ =	shalt  }
0x6d: {  	_ =	shalt  }
0x6e: {  	_ =	shalt  }
0x6f: {  	_ =	shalt  }
0x70: {  	_ =	shalt  }
0x71: {  	_ =	shalt  }
0x72: {  	_ =	shalt  }
0x73: {  	_ =	shalt  }
0x74: {  	_ =	shalt  }
0x75: {  	_ =	shalt  }
0x76: {  	_ =	shalt  }
0x77: {  	_ =	shalt  }
0x78: {  	_ =	shalt  }
0x79: {  	_ =	shalt  }
0x7a: {  	_ =	shalt  }
0x7b: {  	_ =	shalt  }
0x7c: {  	_ =	shalt  }
0x7d: {  	_ =	shalt  }
0x7e: {  	_ =	shalt  }
0x7f: {  	_ =	shalt  }
0x80: {  	_ =	shalt  }
0x81: {  	_ =	shalt  }
0x82: {  	_ =	shalt  }
0x83: {  	_ =	shalt  }
0x84: {  	_ =	shalt  }
0x85: {  	_ =	shalt  }
0x86: {  	_ =	shalt  }
0x87: {  	_ =	shalt  }
.Lfunc_end0:
.L_simem_size_0:
called_computation_lowered:
.L_overlay_start_0:
0x88: {  	s2 =	sld [smem:$0x3FD9]  }
0x89: {  	s3 =	sld [smem:$0x3FFE];
	_ =	sdelay $0x1  }
0x8a: {  	s1 =	srdreg.scid  }
0x8b: {  	s0 =	sand.u32 $0x1, s1  }
0x8c: {  	s16 =	sshll.u32 s0, $0xA;
	s2 =	sadd.s32 s3, s2  }
0x8d: {  	s2 =	sadd.s32 s2, s16  }
0x8e: {  	[smem:$0x3FB0] =	sst s2  }
0x8f: {  	_ = 	snop  }
0x90: {  	(tm) =	ssettm $0x1  }
0x91: {  	s17 =	sld [smem:$0x3FFB];
	_ =	sdelay $0x3  }
0x92: {  	_ =	strace s17  }
0x93: {  	s2 =	sld [smem:$0x3FFC];
	_ =	sdelay $0x3  }
0x94: {  	_ =	strace s2  }
0x95: {  	s2 =	sld [smem:$0x3FFD];
	_ =	sdelay $0x3  }
0x96: {  	_ =	strace s2  }
0x97: {  	_ =	strace $0x8FFFFFFF  }
0x98: {  	s18 =	sld [smem:$0x3FDB];
	_ =	sdelay $0x1  }
0x99: {  	s19 =	simm.s32 $_scs_section_size  }
0x9a: {  	s4 =	simm.s32 $_size__tile_overlayer_lowered;
	s5 =	simm.s32 $_tile_overlayer_lowered  }
0x9b: {  	s22 =	simm.s32 $0x1BFF;
	s21 =	sshll.u32 s5, $0x1;
	s2 =	sadd.s32 s19, s18  }
0x9c: {  	s6 =	simm.s32 $0x0;
	s20 =	sshll.u32 s4, $0x1;
	s4 =	sadd.s32 s21, s2  }
0x9d: {  	[timem:s6], [sflag:s22] =	dma.local [hbm:s4], s20  }
0x9e: {  	_ =	swait.ge [sflag:s22], s20  }
0x9f: {  	s3 =	ssub.s32 $0x0, s20;
	[sflag:s22] =	ssyncset.done $0x0  }
0xa0: {  	[sflag:s22] =	ssyncadd.s32 s3;
	_ =	sdelay $0x1  }
0xa1: {  	s23 =	simm.s32 $0x1B8B  }
0xa2: {  	_ =	swait.ge [sflag:s23], $0x1  }
0xa3: {  	[sflag:s23] =	ssyncset.done $0x0  }
0xa4: {  	s25 =	simm.s32 $0x1B8E;
	s24 =	sld [smem:$0x3FFE];
	[sflag:s23] =	ssyncadd.s32 $0xFFFFFFFF  }
0xa5: {  	s26 =	simm.s32 $execute0_lowered;
	[smem:$0x3FD2] =	sst s25  }
0xa6: {  	s4 =	sshll.u32 s26, $0x1;
	_ =	strace $0x8000004C;
	[dreg:$0x1] =	wrdreg $0xFFFFFFFF  }
0xa7: {  	s28 =	simm.s32 $_size_execute0_lowered;
	s2 =	sadd.s32 s2, s4;
	[dreg:$0x0] =	wrdreg $0x0  }
0xa8: {  	s4 =	sshll.u32 s28, $0x1;
	[dreg:$0x2] =	wrdreg s2  }
0xa9: {  	[dreg:$0x3] =	wrdreg s4  }
0xaa: {  	[dreg:$0x4] =	wrdreg $0xC0  }
0xab: {  	_ =	task [dreg:s6], $0x5FFFF  }
0xac: {  	[dreg:$0x1] =	wrdreg $0xFFFFFFFF  }
0xad: {  	[dreg:$0x0] =	wrdreg $0x60  }
0xae: {  	[dreg:$0x2] =	wrdreg s24  }
0xaf: {  	[dreg:$0x3] =	wrdreg $0xA2000  }
0xb0: {  	[dreg:$0x4] =	wrdreg $0x9  }
0xb1: {  	_ =	task.clear_ibuf [dreg:s6], $0x5FFFF;
	_ =	strace $0x9000004C  }
0xb2: {  	s29 =	simm.s32 $0x9;
	_ =	strace $0x8000004E  }
0xb3: {  	_ =	swait.ge [sflag:s29], $0x1  }
0xb4: {  	[sflag:s29] =	ssyncadd.s32 $0xFFFFFFFF  }
0xb5: {  	_ =	strace $0x9000004E  }
0xb6: {  	_ =	sfence  }
0xb7: {  	s30 =	sld [smem:$0x0];
	_ =	sdelay $0x2  }
0xb8: {  	s31 =	sshll.u32 s1, $0xD;
	s1 =	sshrl.u32 s1, $0x2  }
0xb9: {  	s3 =	sand.u32 $0x4000, s31;
	s1 =	sadd.s32 s1, s30  }
0xba: {  	s0 =	sor.u32 s3, s0;
	s1 =	sshll.u32 s1, $0x11  }
0xbb: {  	s0 =	sor.u32 s1, s0  }
0xbc: {  	s0 =	sadd.s32 $0x8F2B, s0  }
0xbd: {  	[sflag:s0] =	ssyncadd.remote.s32 $0x1  }
0xbe: {  	_ =	sfence.sel $0xFFFF  }
0xbf: {  	[dreg:$0x0] =	wrdreg $0xFFFFFFFF;
	(pc) =	sbr.abs _section_cstart, $3  }
0xc0: {  	[dreg:$0x1] =	wrdreg $0xFFFFFFFF  }
0xc1: {  	_ =	task.clear_ibuf [dreg:s6], $0x2FFFF;
	_ =	strace $0x9FFFFFFF  }
0xc2: {  	(tm) =	ssettm $0x7FFFFFFF  }
0xc3: {  	_ =	shalt  }
tec
execute0_lowered:
.L_overlay_start_1:
0x0: {  	(tag) =	ssettag $0x1  }
0x1: {  	s10 =	rddreg [dreg:$0x0]  }
0x2: {  	s1 =	rddreg [dreg:$0x1]  }
0x3: {  	s2 =	simm.s32 $0x0;
	s7 =	srdreg.scid;
	s14 =	stileid.u32  }
0x4: {  	s16 =	simm.s32 $0x80;
	s17 =	simm.s32 $0x100;
	s18 =	simm.s32 $0x1  }
0x5: {  	s19 =	simm.s32 $0x50;
	s20 =	simm.s32 $0x200;
	s21 =	simm.s32 $0x2A00  }
0x6: {  	s22 =	simm.s32 $0x5200;
	s24 =	simm.s32 $0x7A00;
	[smem:$0x7FF] =	sst s2  }
0x7: {  	s25 =	simm.s32 $0x0;
	s3 =	sadd.s32 $0x524400, s10;
	s4 =	sadd.s32 $0x54B600, s10  }
0x8: {  	s5 =	sadd.s32 $0x572800, s10;
	s6 =	sadd.s32 $0x1A200, s10;
	s11 =	sand.u32 $0x1, s7  }
0x9: {  	s7 =	sadd.s32 $0x62E00, s10;
	s8 =	sadd.s32 $0x10200, s10;
	s9 =	sadd.s32 $0x6400, s10  }
0xa: {  	s23 =	sadd.s32 $0x9C4, s14;
	p0 =	sne.s32 s14, $0x0;
	s12 =	smul.u32 $0x9D80, s11  }
0xb: {  	_ =	strace $0x8000004D;
	s13 =	ssub.s32 $0x2, s11;
	s11 =	smul.u32 $0xFFFFF63C, s11  }
0xc: {  	v0 =	vmov s23;
	s23 =	simm.s32 $0x180;
	s15 =	sshrl.u32 s13, $0x1;
	s12 =	sadd.s32 s12, s10  }
0xd: {  	s10 =	smul.u32 $0x4E20, s14;
	s13 =	ssub.s32 s13, s15;
	s14 =	simm.s32 $0x2  }
0xe: {  	s15 =	sshrl.u32 @!p0 s1, $0x3;
	s12 =	sadd.s32 $0x6CC00, s12;
	s13 =	smax.u32 s13, $0x1  }
.LBB2_1:
0xf: {  	[tilespmem:s2], [sflag:$0x2] =	stream.linear.gather [hbm4b:s6+s2], $0x80, $0x38;
	[tilespmem:$0xF0A0] =	vst v63  }
0x10: {  	_ =	swait.ge [sflag:s14], $0x80  }
0x11: {  	[sflag:s14] =	ssyncset.done $0x0  }
0x12: {  	[sflag:s14] =	ssyncadd.s32 $0xFFFFFF80  }
0x13: {  	v1 =	vld [tilespmem:$0x0];
	_ =	sdelay $0x4  }
0x14: {  	(v2sf) =	vpush v1, $0x0  }
0x15: {  	(v2sf) =	vpush v1, $0x1;
	_ =	sdelay $0xd  }
0x16: {  	s26 =	spop (v2sf)  }
0x17: {  	s29 =	simm.s32 @!p0 $0x1C02;
	s28 =	spop (v2sf)  }
0x18: {  	[spmem:s15], [sflag:s29] =	dma.local @!p0 [hbm:s7], $0x9D40  }
0x19: {  	s26 =	smul.u32 $0x2710000, s26;
	s29 =	simm.s32 @!p0 $0x2  }
0x1a: {  	s28 =	smul.u32 $0xFFFFEC78, s28;
	_ =	swait.ge @!p0 [sflag:s29], $0x9D40  }
0x1b: {  	[sflag:s29] =	ssyncset.done @!p0 $0x0  }
0x1c: {  	s26 =	sshrl.u32 s26, $0x3;
	s28 =	sadd.s32 s11, s28;
	[sflag:s29] =	ssyncadd.s32 @!p0 $0xFFFF62C0  }
0x1d: {  	s26 =	sadd.s32 s5, s26;
	v1 =	vmov s28;
	s28 =	simm.s32 $0x0;
	[bflag:$0x0] =	sbarrier.arrive $0xFFFF  }
.LBB2_2:
0x1e: {  	s29 =	smul.u32 $0x50, s28;
	_ =	sdelay $0x1  }
0x1f: {  	s29 =	sadd.s32 s10, s29  }
0x20: {  	s30 =	sshrl.u32 s29, $0x3  }
0x21: {  	s0 =	simm.s32 $0x0;
	s31 =	sadd.s32 s8, s30  }
0x22: {  	[tilespmem:s16], [sflag:$0x1] =	stream.linear.gather [hbm4b:s31+s0], $0x50, $0x38;
	[tilespmem:$0xF0A0] =	vst v63  }
0x23: {  	s30 =	sadd.s32 s9, s30  }
0x24: {  	[tilespmem:s17], [sflag:$0x1] =	stream.linear.gather [hbm4b:s30+s0], $0x50, $0x38;
	[tilespmem:$0xF0A0] =	vst v63  }
0x25: {  	_ =	swait.ge [sflag:s18], $0x50  }
0x26: {  	[sflag:s18] =	ssyncset.done $0x0  }
0x27: {  	[sflag:s18] =	ssyncadd.s32 $0xFFFFFFB0  }
0x28: {  	_ =	swait.ge [sflag:s18], $0x50  }
0x29: {  	[sflag:s18] =	ssyncset.done $0x0  }
0x2a: {  	[sflag:s18] =	ssyncadd.s32 $0xFFFFFFB0  }
0x2b: {  	[tilespmem:s20], [sflag:$0x1] =	stream.indirect.gather [hbm4b:s3+s19], $0x80, s16, s19, $0xb8;
	[tilespmem:$0xF0A0] =	vst v63  }
0x2c: {  	s29 =	sshll.u32 s29, $0x4  }
0x2d: {  	[tilespmem:s21], [sflag:$0x1] =	stream.indirect.gather [hbm4b:s4+s19], $0x80, s17, s19, $0xb8;
	[tilespmem:$0xF0A0] =	vst v63  }
0x2e: {  	s29 =	sadd.s32 s29, s26  }
0x2f: {  	[tilespmem:s22], [sflag:$0x1] =	stream.linear.gather [hbm4b:s29+s0], $0x2800, $0x38;
	[tilespmem:$0xF0A0] =	vst v63  }
0x30: {  	v2 =	vld [tilespmem:$0x80]  }
0x31: {  	v3 =	vld [tilespmem:$0x90]  }
0x32: {  	v4 =	vld [tilespmem:$0xA0]  }
0x33: {  	v5 =	vld [tilespmem:$0xB0]  }
0x34: {  	v6 =	vld [tilespmem:$0xC0]  }
0x35: {  	v2 =	vadd.s32 v1, v2  }
0x36: {  	v3 =	vadd.s32 v1, v3;
	vm0 =	vlt.u32 v2, $0x9C4  }
0x37: {  	v4 =	vadd.s32 v1, v4;
	vm12 =	vlt.u32 v3, $0x9C4;
	v2 =	vsel vm0, v2, v0  }
0x38: {  	vm13 =	vlt.u32 v4, $0x9C4;
	[tilespmem:$0x180] =	vst v2;
	v2 =	vsel vm12, v3, v0;
	v3 =	vadd.s32 v1, v5  }
0x39: {  	[tilespmem:$0x190] =	vst v2;
	v2 =	vsel vm13, v4, v0;
	vm14 =	vlt.u32 v3, $0x9C4;
	v4 =	vadd.s32 v1, v6  }
0x3a: {  	[tilespmem:$0x1A0] =	vst v2;
	v2 =	vsel vm14, v3, v0;
	vm15 =	vlt.u32 v4, $0x9C4  }
0x3b: {  	[tilespmem:$0x1B0] =	vst v2;
	v2 =	vsel vm15, v4, v0  }
0x3c: {  	[tilespmem:$0x1C0] =	vst v2  }
0x3d: {  	_ =	swait.ge [sflag:s18], $0x2800  }
0x3e: {  	[sflag:s18] =	ssyncset.done $0x0  }
0x3f: {  	[sflag:s18] =	ssyncadd.s32 $0xFFFFD800  }
0x40: {  	_ =	swait.ge [sflag:s18], $0x2800  }
0x41: {  	[sflag:s18] =	ssyncset.done $0x0  }
0x42: {  	[sflag:s18] =	ssyncadd.s32 $0xFFFFD800  }
0x43: {  	_ =	swait.ge [sflag:s18], $0x2800  }
0x44: {  	[sflag:s18] =	ssyncset.done $0x0  }
0x45: {  	s29 =	simm.s32 $0x0;
	[sflag:s18] =	ssyncadd.s32 $0xFFFFD800  }
0x46: {  	v2 =	vld [tilespmem:s29+$0x270]  }
0x47: {  	v3 =	vld [tilespmem:s29+$0x2A70]  }
0x48: {  	v4 =	vld [tilespmem:s29+$0x200]  }
0x49: {  	v5 =	vld [tilespmem:s29+$0x5270]  }
0x4a: {  	v6 =	vld [tilespmem:s29+$0x2A00]  }
0x4b: {  	v7 =	vld [tilespmem:s29+$0x210]  }
0x4c: {  	v8 =	vld [tilespmem:s29+$0x2A10]  }
0x4d: {  	v9 =	vld [tilespmem:s29+$0x2A20]  }
0x4e: {  	v11 =	vld [tilespmem:s29+$0x2A30]  }
0x4f: {  	v12 =	vld [tilespmem:s29+$0x240]  }
0x50: {  	v13 =	vld [tilespmem:s29+$0x250]  }
0x51: {  	v14 =	vld [tilespmem:s29+$0x2A50]  }
0x52: {  	v15 =	vld [tilespmem:s29+$0x260];
	v2 =	vadd.f32 v3, v2  }
0x53: {  	v16 =	vld [tilespmem:s29+$0x2A60]  }
0x54: {  	v17 =	vld [tilespmem:s29+$0x5200];
	v2 =	vadd.f32 v5, v2  }
0x55: {  	v3 =	vld [tilespmem:s29+$0x220]  }
0x56: {  	v5 =	vld [tilespmem:s29+$0x230];
	v2 =	vmax.f32 v2, $0.0e+00  }
0x57: {  	[tilespmem:s29+$0x7A70] =	vst v2;
	v2 =	vld [tilespmem:s29+$0x2A40]  }
0x58: {  	v18 =	vld [tilespmem:s29+$0x5210]  }
0x59: {  	v19 =	vld [tilespmem:s29+$0x5220]  }
0x5a: {  	v10 =	vld [tilespmem:s29+$0x5230];
	v4 =	vadd.f32 v6, v4;
	v20 =	vadd.f32 v8, v7  }
0x5b: {  	v21 =	vadd.f32 v9, v3;
	v9 =	vld [tilespmem:s29+$0x5240];
	v6 =	vadd.f32 v11, v5  }
0x5c: {  	v8 =	vld [tilespmem:s29+$0x5250];
	v5 =	vadd.f32 v2, v12;
	v12 =	vadd.f32 v17, v4  }
0x5d: {  	s30 =	simm.s32 $0x80;
	v7 =	vld [tilespmem:s29+$0x5260];
	v11 =	vadd.f32 v18, v20;
	v4 =	vadd.f32 v14, v13  }
0x5e: {  	s31 =	simm.s32 $0x400;
	v3 =	vld [tilespmem:s30+$0x270];
	v2 =	vadd.f32 v16, v15;
	v13 =	vmax.f32 v12, $0.0e+00;
	v12 =	vadd.f32 v19, v21  }
.LBB2_3:
0x5f: {  	p1 =	sne.s32 s31, $0x9E00;
	v14 =	vld [tilespmem:s30+$0x2A70];
	[tilespmem:s29+$0x7A00] =	vst v13;
	v11 =	vmax.f32 v11, $0.0e+00;
	v6 =	vadd.f32 v10, v6  }
0x60: {  	v10 =	vld [tilespmem:s30+$0x200];
	[tilespmem:s29+$0x7A10] =	vst v11;
	v11 =	vmax.f32 v12, $0.0e+00;
	v5 =	vadd.f32 v9, v5  }
0x61: {  	v9 =	vld [tilespmem:s30+$0x5270];
	[tilespmem:s29+$0x7A20] =	vst v11;
	v6 =	vmax.f32 v6, $0.0e+00;
	v4 =	vadd.f32 v8, v4  }
0x62: {  	v8 =	vld [tilespmem:s30+$0x2A00];
	[tilespmem:s29+$0x7A30] =	vst v6;
	v5 =	vmax.f32 v5, $0.0e+00;
	v2 =	vadd.f32 v7, v2  }
0x63: {  	v6 =	vld [tilespmem:s30+$0x210];
	[tilespmem:s29+$0x7A40] =	vst v5;
	v4 =	vmax.f32 v4, $0.0e+00  }
0x64: {  	v5 =	vld [tilespmem:s30+$0x2A10];
	v3 =	vadd.f32 v14, v3;
	[tilespmem:s29+$0x7A50] =	vst v4;
	v2 =	vmax.f32 v2, $0.0e+00  }
0x65: {  	v4 =	vld [tilespmem:s30+$0x220];
	[tilespmem:s29+$0x7A60] =	vst v2;
	s29 =	smov.u32 s30  }
0x66: {  	v2 =	vld [tilespmem:s29+$0x2A20];
	v3 =	vadd.f32 v9, v3  }
0x67: {  	v7 =	vadd.f32 v8, v10;
	v8 =	vld [tilespmem:s29+$0x230]  }
0x68: {  	v9 =	vld [tilespmem:s29+$0x2A30];
	v3 =	vmax.f32 v3, $0.0e+00  }
0x69: {  	v11 =	vadd.f32 v5, v6;
	v5 =	vld [tilespmem:s29+$0x240];
	[tilespmem:s29+$0x7A70] =	vst v3  }
0x6a: {  	v3 =	vld [tilespmem:s29+$0x2A40]  }
0x6b: {  	v12 =	vadd.f32 v2, v4;
	v2 =	vld [tilespmem:s29+$0x250]  }
0x6c: {  	v4 =	vld [tilespmem:s29+$0x2A50]  }
0x6d: {  	v6 =	vadd.f32 v9, v8;
	v8 =	vld [tilespmem:s29+$0x260]  }
0x6e: {  	v13 =	vld [tilespmem:s29+$0x2A60]  }
0x6f: {  	v14 =	vld [tilespmem:s29+$0x5200];
	v5 =	vadd.f32 v3, v5  }
0x70: {  	v3 =	vld [tilespmem:s29+$0x5210]  }
0x71: {  	v15 =	vld [tilespmem:s29+$0x5220];
	v4 =	vadd.f32 v4, v2  }
.Ltmp0:
0x72: {  	v10 =	vld [tilespmem:s29+$0x5230];
	(pc) =	sbr.rel @p1 .LBB2_3-.Ltmp0, $4  }
0x73: {  	v9 =	vld [tilespmem:s29+$0x5240];
	v2 =	vadd.f32 v13, v8  }
0x74: {  	v13 =	vadd.f32 v14, v7;
	v8 =	vld [tilespmem:s29+$0x5250]  }
0x75: {  	s30 =	sshra.s32 s31, $0x2;
	v11 =	vadd.f32 v3, v11;
	v7 =	vld [tilespmem:s29+$0x5260]  }
0x76: {  	s31 =	sadd.s32 $0x200, s31;
	v3 =	vld [tilespmem:s30+$0x270];
	v13 =	vmax.f32 v13, $0.0e+00;
	v12 =	vadd.f32 v15, v12  }
0x77: {  	v14 =	vld [tilespmem:s30+$0x2A70];
	[tilespmem:s29+$0x7A00] =	vst v13;
	v11 =	vmax.f32 v11, $0.0e+00;
	v6 =	vadd.f32 v10, v6  }
0x78: {  	v13 =	vld [tilespmem:s30+$0x200];
	[tilespmem:s29+$0x7A10] =	vst v11;
	v47 =	vmax.f32 v12, $0.0e+00;
	v5 =	vadd.f32 v9, v5  }
0x79: {  	v11 =	vld [tilespmem:s30+$0x5270];
	[tilespmem:s29+$0x7A20] =	vst v47;
	v6 =	vmax.f32 v6, $0.0e+00;
	v4 =	vadd.f32 v8, v4  }
0x7a: {  	v48 =	vld [tilespmem:s30+$0x2A00];
	[tilespmem:s29+$0x7A30] =	vst v6;
	v5 =	vmax.f32 v5, $0.0e+00;
	v2 =	vadd.f32 v7, v2  }
0x7b: {  	v6 =	vld [tilespmem:s30+$0x210];
	[tilespmem:s29+$0x7A40] =	vst v5;
	v4 =	vmax.f32 v4, $0.0e+00  }
0x7c: {  	v5 =	vld [tilespmem:s30+$0x2A10];
	[tilespmem:s29+$0x7A50] =	vst v4;
	v2 =	vmax.f32 v2, $0.0e+00  }
0x7d: {  	v4 =	vld [tilespmem:s30+$0x220];
	[tilespmem:s29+$0x7A60] =	vst v2  }
0x7e: {  	v2 =	vld [tilespmem:s30+$0x2A20]  }
0x7f: {  	v49 =	vld [tilespmem:s30+$0x230]  }
0x80: {  	v50 =	vld [tilespmem:s30+$0x2A30]  }
0x81: {  	v10 =	vld [tilespmem:s30+$0x240]  }
0x82: {  	v51 =	vld [tilespmem:s30+$0x250]  }
0x83: {  	v52 =	vld [tilespmem:s30+$0x2A50]  }
0x84: {  	v3 =	vadd.f32 v14, v3;
	v53 =	vld [tilespmem:s30+$0x260]  }
0x85: {  	v15 =	vld [tilespmem:s30+$0x2A60]  }
0x86: {  	v3 =	vadd.f32 v11, v3;
	v16 =	vld [tilespmem:s30+$0x5200]  }
0x87: {  	v17 =	vld [tilespmem:s30+$0x5210]  }
0x88: {  	v18 =	vld [tilespmem:s30+$0x5220];
	v3 =	vmax.f32 v3, $0.0e+00  }
0x89: {  	[tilespmem:s30+$0x7A70] =	vst v3;
	v3 =	vld [tilespmem:s30+$0x2A40]  }
0x8a: {  	v54 =	vld [tilespmem:s30+$0x5230];
	v9 =	vadd.f32 v48, v13  }
0x8b: {  	v55 =	vld [tilespmem:s30+$0x5240];
	v5 =	vadd.f32 v5, v6  }
0x8c: {  	v57 =	vld [tilespmem:s30+$0x5250];
	v2 =	vadd.f32 v2, v4;
	v56 =	vadd.f32 v16, v9  }
0x8d: {  	v58 =	vld [tilespmem:s30+$0x5260];
	v7 =	vadd.f32 v50, v49;
	v5 =	vadd.f32 v17, v5  }
0x8e: {  	v2 =	vadd.f32 v18, v2;
	v4 =	vmax.f32 v56, $0.0e+00;
	v3 =	vadd.f32 v3, v10  }
0x8f: {  	v59 =	vadd.f32 v52, v51;
	v60 =	vmax.f32 v5, $0.0e+00;
	v61 =	vadd.f32 v54, v7;
	[tilespmem:s30+$0x7A00] =	vst v4  }
0x90: {  	v62 =	vadd.f32 v15, v53;
	[tilespmem:s30+$0x7A10] =	vst v60;
	v2 =	vmax.f32 v2, $0.0e+00;
	v3 =	vadd.f32 v55, v3  }
0x91: {  	v63 =	vadd.f32 v57, v59;
	[tilespmem:s30+$0x7A20] =	vst v2;
	v2 =	vmax.f32 v61, $0.0e+00  }
0x92: {  	[tilespmem:s30+$0x7A30] =	vst v2;
	v2 =	vmax.f32 v3, $0.0e+00;
	v3 =	vadd.f32 v58, v62  }
0x93: {  	s28 =	sadd.s32 $0x1, s28;
	[tilespmem:s30+$0x7A40] =	vst v2;
	v2 =	vmax.f32 v63, $0.0e+00  }
0x94: {  	p1 =	sne.s32 s28, $0xFA;
	[tilespmem:s30+$0x7A50] =	vst v2;
	v2 =	vmax.f32 v3, $0.0e+00  }
.Ltmp1:
0x95: {  	[tilespmem:s30+$0x7A60] =	vst v2;
	(pc) =	sbr.rel @p1 .LBB2_2-.Ltmp1, $4  }
0x96: {  	[spmem:s1] =	stream.indirect.scatter.add.f32 [tilespmem:s24], [sflag:$0x2], $0x80, s23, s19, $0xb8;
	[tilespmem:$0xF0A0] =	vst v63  }
0x97: {  	_ =	swait.ge [sflag:s14], $0x2800  }
0x98: {  	[sflag:s14] =	ssyncset.done $0x0  }
0x99: {  	[sflag:s14] =	ssyncadd.s32 $0xFFFFD800  }
0x9a: {  	[bflag:$0x0] =	sbarrier.arrive $0xFFFF;
	s0 =	simm.s32 @!p0 $0x1C02;
	s25 =	sadd.s32 $0x1, s25  }
0x9b: {  	[hbm:s12], [sflag:s0] =	dma.local @!p0 [spmem:s15], $0x9D40  }
0x9c: {  	p1 =	sne.s32 s25, s13  }
.Ltmp2:
0x9d: {  	_ = 	snop;
	(pc) =	sbr.rel @p1 .LBB2_1-.Ltmp2, $4  }
0x9e: {  	s0 =	simm.s32 @!p0 $0x2  }
0x9f: {  	_ =	swait.ge @!p0 [sflag:s0], $0x9D40  }
0xa0: {  	[sflag:s0] =	ssyncset.done @!p0 $0x0  }
0xa1: {  	[sflag:s0] =	ssyncadd.s32 @!p0 $0xFFFF62C0  }
0xa2: {  	_ =	sfence.sel $0x180000  }
0xa3: {  	[bflag:$0x0] =	sbarrier.arrive $0xFFFF  }
0xa4: {  	_ =	strace $0x9000004D  }
0xa5: {  	[bflag:$0x2] =	sbarrier.arrive $0xFFFF  }
0xa6: {  	s0 =	rddreg [dreg:$0x2]  }
0xa7: {  	s0 =	sadd.s32 @!p0 $0x100000, s0  }
0xa8: {  	[sflag:s0] =	ssyncadd.tile.s32 @!p0 $0x1;
	_ =	shalt  }
.Lfunc_end2:
_tile_overlayer_lowered:
.L_overlay_start_2:
0xa9: {  	(tag) =	ssettag $0x2  }
0xaa: {  	s0 =	rddreg [dreg:$0x0];
	s2 =	stileid.u32  }
0xab: {  	s1 =	rddreg [dreg:$0x1];
	p0 =	sne.s32 s2, $0x0  }
0xac: {  	s3 =	rddreg [dreg:$0x2];
	[bflag:$0x3] =	sbarrier.arrive $0xFFFF;
	s2 =	simm.s32 @!p0 $0x1C02  }
0xad: {  	[timem:s3], [sflag:s2] =	dma.local @!p0 [hbm:s0], s1  }
0xae: {  	s0 =	simm.s32 @!p0 $0x2  }
0xaf: {  	_ =	swait.ge @!p0 [sflag:s0], s1  }
0xb0: {  	s1 =	ssub.s32 @!p0 $0x0, s1;
	[sflag:s0] =	ssyncset.done @!p0 $0x0  }
0xb1: {  	[sflag:s0] =	ssyncadd.s32 @!p0 s1  }
0xb2: {  	[bflag:$0x3] =	sbarrier.arrive $0xFFFF  }
0xb3: {  	_ =	shalt  }

// kernel: kernel.10.cloned.1.call-start
scs
__scs_entry_jumppad:
0x0: {  	(pc) =	sbr.rel $0x88, $3  }
0x1: {  	(tag) =	ssettag $0x0;
	lr =	simm.s32 $0x1  }
0x2: {  	[smem:$0x3F89] =	sst lr;
	_ =	strace $0xD0000000  }
0x3: {  	_ = 	snop  }
0x4: {  	_ = 	snop  }
0x5: {  	_ = 	snop  }
0x6: {  	_ = 	snop  }
0x7: {  	_ = 	snop  }
__scs_overlays_trampoline_lowered:
0x8: {  	[smem:$0x3F98] =	sst s0  }
0x9: {  	[smem:$0x3F99] =	sst s1  }
0xa: {  	[smem:$0x3F9A] =	sst s2  }
0xb: {  	[smem:$0x3F9B] =	sst s3  }
0xc: {  	[smem:$0x3F9C] =	sst s4  }
0xd: {  	[smem:$0x3F9D] =	sst s5  }
0xe: {  	[smem:$0x3F9E] =	sst s6  }
0xf: {  	[smem:$0x3F9F] =	sst s7  }
0x10: {  	[smem:$0x3FA0] =	sst s8  }
0x11: {  	[smem:$0x3FA1] =	sst s9;
	s0 =	simm.s32 @!p0 $0x0  }
0x12: {  	s1 =	sld [smem:$0x3F87];
	s0 =	simm.s32 @p0 $0x1  }
0x13: {  	[smem:$0x3FA2] =	sst s0;
	s0 =	simm.s32 @!p1 $0x0  }
0x14: {  	s2 =	sld [smem:$0x3F86];
	s0 =	simm.s32 @p1 $0x1  }
0x15: {  	[smem:$0x3FA3] =	sst s0;
	s0 =	simm.s32 @!p2 $0x0  }
0x16: {  	s3 =	sld [smem:$0x3FDB];
	s0 =	simm.s32 @p2 $0x1  }
0x17: {  	s4 =	simm.s32 $0x1BF5;
	[smem:$0x3FA5] =	sst s0  }
0x18: {  	s0 =	sld [smem:$0x3F88];
	_ =	swait.ge [sflag:s4], $0x0  }
0x19: {  	s7 =	sld [smem:$0x3F89]  }
0x1a: {  	s8 =	sadd.s32 $0xFFFFE003, lr  }
0x1b: {  	s9 =	sadd.s32 $0xFFFFFEF7, lr;
	s5 =	simm.s32 $0xFFFFFFFF;
	p2 =	slt.u32 s8, $0xFFFFF086  }
0x1c: {  	p1 =	slt.u32 s9, $0xF7A;
	s5 =	simm.s32 @!p2 $0x0  }
0x1d: {  	s5 =	simm.s32 @p1 $0x1;
	p0 =	seq.s32 s7, s2  }
0x1e: {  	s7 =	smul.u32 @!p0 $0xF7A, s2;
	p2 =	seq.s32 @!p0 s5, $0x0  }
0x1f: {  	s9 =	smul.u32 $0xF7A, s1;
	s8 =	simm.s32 @!p0 $0x1BF5;
	p2 =	por !p2, p0  }
0x20: {  	[sflag:s8] =	ssyncset.s32 @!p0 $0xFFFFF086;
	s6 =	sadd.s32 @!p0 s3, s7;
	s7 =	simm.s32 @!p0 $0x108  }
0x21: {  	s3 =	sadd.s32 s3, s9;
	s6 =	sadd.s32 @!p0 $0x88, s6;
	s7 =	simm.s32 @p2 $0x1082  }
0x22: {  	[simem:s7], [sflag:s8] =	dma.local @!p0 [hbm:s6], $0xF7A  }
0x23: {  	s9 =	sor.u32 $0xD0000000, s2;
	s6 =	simm.s32 $0x108;
	_ =	swait.ge @!p0 [sflag:s8], $0x0  }
0x24: {  	s3 =	sadd.s32 $0x88, s3;
	s6 =	simm.s32 @!p1 $0x1082;
	[sflag:s4] =	ssyncset.s32 $0xFFFFF086  }
0x25: {  	[simem:s6], [sflag:s4] =	dma.local [hbm:s3], $0xF7A  }
0x26: {  	[smem:$0x3F89] =	sst s1;
	(tag) =	ssettag s2;
	_ =	strace s9  }
0x27: {  	s1 =	sld [smem:$0x3F99]  }
0x28: {  	s2 =	sld [smem:$0x3F9A]  }
0x29: {  	s4 =	sld [smem:$0x3F9C]  }
0x2a: {  	p0 =	seq.s32 s5, $0x0;
	s5 =	sld [smem:$0x3F9D]  }
0x2b: {  	s6 =	sld [smem:$0x3F9E]  }
0x2c: {  	s7 =	sld [smem:$0x3F9F]  }
0x2d: {  	s3 =	simm.s32 $0x108;
	s8 =	sld [smem:$0x3FA0]  }
0x2e: {  	s3 =	simm.s32 @!p0 $0x1082;
	s9 =	sld [smem:$0x3FA1]  }
0x2f: {  	lr =	sadd.s32 s0, s3;
	s0 =	sld [smem:$0x3F98]  }
0x30: {  	s3 =	sld [smem:$0x3F9B]  }
0x31: {  	[smem:$0x3FA4] =	sst s10  }
0x32: {  	s10 =	sld [smem:$0x3FA2];
	_ =	sdelay $0x3  }
0x33: {  	p0 =	seq.s32 s10, $0x1;
	s10 =	sld [smem:$0x3FA4];
	_ =	sdelay $0x3  }
0x34: {  	[smem:$0x3FA4] =	sst s10  }
0x35: {  	s10 =	sld [smem:$0x3FA3];
	_ =	sdelay $0x3  }
0x36: {  	p1 =	seq.s32 s10, $0x1;
	s10 =	sld [smem:$0x3FA4];
	_ =	sdelay $0x3  }
0x37: {  	[smem:$0x3FA4] =	sst s10  }
0x38: {  	s10 =	sld [smem:$0x3FA5]  }
0x39: {  	_ = 	snop;
	(pc) =	sbr.ind lr, $3  }
0x3a: {  	_ = 	snop  }
0x3b: {  	_ = 	snop  }
0x3c: {  	p2 =	seq.s32 s10, $0x1;
	s10 =	sld [smem:$0x3FA4]  }
0x3d: {  	_ =	shalt  }
0x3e: {  	_ =	shalt  }
0x3f: {  	_ =	shalt  }
0x40: {  	_ =	shalt  }
0x41: {  	_ =	shalt  }
0x42: {  	_ =	shalt  }
0x43: {  	_ =	shalt  }
0x44: {  	_ =	shalt  }
0x45: {  	_ =	shalt  }
0x46: {  	_ =	shalt  }
0x47: {  	_ =	shalt  }
0x48: {  	_ =	shalt  }
0x49: {  	_ =	shalt  }
0x4a: {  	_ =	shalt  }
0x4b: {  	_ =	shalt  }
0x4c: {  	_ =	shalt  }
0x4d: {  	_ =	shalt  }
0x4e: {  	_ =	shalt  }
0x4f: {  	_ =	shalt  }
0x50: {  	_ =	shalt  }
0x51: {  	_ =	shalt  }
0x52: {  	_ =	shalt  }
0x53: {  	_ =	shalt  }
0x54: {  	_ =	shalt  }
0x55: {  	_ =	shalt  }
0x56: {  	_ =	shalt  }
0x57: {  	_ =	shalt  }
0x58: {  	_ =	shalt  }
0x59: {  	_ =	shalt  }
0x5a: {  	_ =	shalt  }
0x5b: {  	_ =	shalt  }
0x5c: {  	_ =	shalt  }
0x5d: {  	_ =	shalt  }
0x5e: {  	_ =	shalt  }
0x5f: {  	_ =	shalt  }
0x60: {  	_ =	shalt  }
0x61: {  	_ =	shalt  }
0x62: {  	_ =	shalt  }
0x63: {  	_ =	shalt  }
0x64: {  	_ =	shalt  }
0x65: {  	_ =	shalt  }
0x66: {  	_ =	shalt  }
0x67: {  	_ =	shalt  }
0x68: {  	_ =	shalt  }
0x69: {  	_ =	shalt  }
0x6a: {  	_ =	shalt  }
0x6b: {  	_ =	shalt  }
0x6c: {  	_ =	shalt  }
0x6d: {  	_ =	shalt  }
0x6e: {  	_ =	shalt  }
0x6f: {  	_ =	shalt  }
0x70: {  	_ =	shalt  }
0x71: {  	_ =	shalt  }
0x72: {  	_ =	shalt  }
0x73: {  	_ =	shalt  }
0x74: {  	_ =	shalt  }
0x75: {  	_ =	shalt  }
0x76: {  	_ =	shalt  }
0x77: {  	_ =	shalt  }
0x78: {  	_ =	shalt  }
0x79: {  	_ =	shalt  }
0x7a: {  	_ =	shalt  }
0x7b: {  	_ =	shalt  }
0x7c: {  	_ =	shalt  }
0x7d: {  	_ =	shalt  }
0x7e: {  	_ =	shalt  }
0x7f: {  	_ =	shalt  }
0x80: {  	_ =	shalt  }
0x81: {  	_ =	shalt  }
0x82: {  	_ =	shalt  }
0x83: {  	_ =	shalt  }
0x84: {  	_ =	shalt  }
0x85: {  	_ =	shalt  }
0x86: {  	_ =	shalt  }
0x87: {  	_ =	shalt  }
.Lfunc_end0:
.L_simem_size_0:
called_computation.2_lowered:
.L_overlay_start_0:
0x88: {  	s2 =	sld [smem:$0x3FD9]  }
0x89: {  	s3 =	sld [smem:$0x3FFE];
	_ =	sdelay $0x1  }
0x8a: {  	s1 =	srdreg.scid  }
0x8b: {  	s0 =	sand.u32 $0x1, s1  }
0x8c: {  	s16 =	sshll.u32 s0, $0xA;
	s2 =	sadd.s32 s3, s2  }
0x8d: {  	s2 =	sadd.s32 s2, s16  }
0x8e: {  	[smem:$0x3FB0] =	sst s2  }
0x8f: {  	_ = 	snop  }
0x90: {  	(tm) =	ssettm $0x1  }
0x91: {  	s17 =	sld [smem:$0x3FFB];
	_ =	sdelay $0x3  }
0x92: {  	_ =	strace s17  }
0x93: {  	s2 =	sld [smem:$0x3FFC];
	_ =	sdelay $0x3  }
0x94: {  	_ =	strace s2  }
0x95: {  	s2 =	sld [smem:$0x3FFD];
	_ =	sdelay $0x3  }
0x96: {  	_ =	strace s2  }
0x97: {  	_ =	strace $0x8FFFFFFF  }
0x98: {  	s18 =	sld [smem:$0x3FDB];
	_ =	sdelay $0x1  }
0x99: {  	s19 =	simm.s32 $_scs_section_size  }
0x9a: {  	s4 =	simm.s32 $_size__tile_overlayer_lowered;
	s5 =	simm.s32 $_tile_overlayer_lowered  }
0x9b: {  	s22 =	simm.s32 $0x1BFF;
	s21 =	sshll.u32 s5, $0x1;
	s2 =	sadd.s32 s19, s18  }
0x9c: {  	s6 =	simm.s32 $0x0;
	s20 =	sshll.u32 s4, $0x1;
	s4 =	sadd.s32 s21, s2  }
0x9d: {  	[timem:s6], [sflag:s22] =	dma.local [hbm:s4], s20  }
0x9e: {  	_ =	swait.ge [sflag:s22], s20  }
0x9f: {  	s3 =	ssub.s32 $0x0, s20;
	[sflag:s22] =	ssyncset.done $0x0  }
0xa0: {  	[sflag:s22] =	ssyncadd.s32 s3;
	_ =	sdelay $0x1  }
0xa1: {  	s23 =	simm.s32 $0x1B8B  }
0xa2: {  	_ =	swait.ge [sflag:s23], $0x1  }
0xa3: {  	[sflag:s23] =	ssyncset.done $0x0  }
0xa4: {  	s25 =	simm.s32 $0x1B8E;
	s24 =	sld [smem:$0x3FFE];
	[sflag:s23] =	ssyncadd.s32 $0xFFFFFFFF  }
0xa5: {  	s26 =	simm.s32 $execute0_lowered;
	[smem:$0x3FD2] =	sst s25  }
0xa6: {  	s4 =	sshll.u32 s26, $0x1;
	_ =	strace $0x80000049;
	[dreg:$0x1] =	wrdreg $0xFFFFFFFF  }
0xa7: {  	s28 =	simm.s32 $_size_execute0_lowered;
	s2 =	sadd.s32 s2, s4;
	[dreg:$0x0] =	wrdreg $0x0  }
0xa8: {  	s4 =	sshll.u32 s28, $0x1;
	[dreg:$0x2] =	wrdreg s2  }
0xa9: {  	[dreg:$0x3] =	wrdreg s4  }
0xaa: {  	[dreg:$0x4] =	wrdreg $0xC0  }
0xab: {  	_ =	task [dreg:s6], $0x5FFFF  }
0xac: {  	[dreg:$0x1] =	wrdreg $0xFFFFFFFF  }
0xad: {  	[dreg:$0x0] =	wrdreg $0x60  }
0xae: {  	[dreg:$0x2] =	wrdreg s24  }
0xaf: {  	[dreg:$0x3] =	wrdreg $0xA1800  }
0xb0: {  	[dreg:$0x4] =	wrdreg $0x9  }
0xb1: {  	_ =	task.clear_ibuf [dreg:s6], $0x5FFFF;
	_ =	strace $0x90000049  }
0xb2: {  	s29 =	simm.s32 $0x9;
	_ =	strace $0x8000004B  }
0xb3: {  	_ =	swait.ge [sflag:s29], $0x1  }
0xb4: {  	[sflag:s29] =	ssyncadd.s32 $0xFFFFFFFF  }
0xb5: {  	_ =	strace $0x9000004B  }
0xb6: {  	_ =	sfence  }
0xb7: {  	s30 =	sld [smem:$0x0];
	_ =	sdelay $0x2  }
0xb8: {  	s31 =	sshll.u32 s1, $0xD;
	s1 =	sshrl.u32 s1, $0x2  }
0xb9: {  	s3 =	sand.u32 $0x4000, s31;
	s1 =	sadd.s32 s1, s30  }
0xba: {  	s0 =	sor.u32 s3, s0;
	s1 =	sshll.u32 s1, $0x11  }
0xbb: {  	s0 =	sor.u32 s1, s0  }
0xbc: {  	s0 =	sadd.s32 $0x8F2B, s0  }
0xbd: {  	[sflag:s0] =	ssyncadd.remote.s32 $0x1  }
0xbe: {  	_ =	sfence.sel $0xFFFF  }
0xbf: {  	[dreg:$0x0] =	wrdreg $0xFFFFFFFF;
	(pc) =	sbr.abs _section_cstart, $3  }
0xc0: {  	[dreg:$0x1] =	wrdreg $0xFFFFFFFF  }
0xc1: {  	_ =	task.clear_ibuf [dreg:s6], $0x2FFFF;
	_ =	strace $0x9FFFFFFF  }
0xc2: {  	(tm) =	ssettm $0x7FFFFFFF  }
0xc3: {  	_ =	shalt  }
tec
execute0_lowered:
.L_overlay_start_1:
0x0: {  	(tag) =	ssettag $0x1  }
0x1: {  	s9 =	rddreg [dreg:$0x0]  }
0x2: {  	s1 =	rddreg [dreg:$0x1]  }
0x3: {  	s3 =	srdreg.scid;
	s0 =	rddreg [dreg:$0x2]  }
0x4: {  	s2 =	simm.s32 $0x0;
	s13 =	stileid.u32;
	s16 =	simm.s32 $0x50  }
0x5: {  	s17 =	simm.s32 $0x180;
	s19 =	simm.s32 $0x5180;
	s20 =	simm.s32 $0x100  }
0x6: {  	s21 =	simm.s32 $0x7980;
	s22 =	simm.s32 $0x2;
	[smem:$0x7FF] =	sst s2  }
0x7: {  	s12 =	sand.u32 $0x1, s3;
	s3 =	sadd.s32 $0x524400, s9;
	s4 =	sadd.s32 $0x54B600, s9  }
0x8: {  	s6 =	sadd.s32 $0x6400, s9;
	s7 =	sadd.s32 $0x1B000, s9;
	s8 =	sadd.s32 $0x24E00, s9  }
0x9: {  	s15 =	sshll.u32 s13, $0x6;
	p0 =	sne.s32 s13, $0x0;
	s5 =	smul.u32 $0x4E2000, s12  }
0xa: {  	_ =	strace $0x8000004A;
	s11 =	sshll.u32 s12, $0xC;
	s14 =	ssub.s32 $0x2, s12  }
0xb: {  	s18 =	sand.u32 $0xC0, s15;
	s31 =	sshll.u32 s12, $0x6;
	s15 =	simm.s32 $0x1  }
0xc: {  	s11 =	sadd.s32 s11, s9;
	s30 =	sshrl.u32 s14, $0x1;
	s23 =	sor.u32 $0x2980, s31  }
0xd: {  	s24 =	sor.u32 $0x180, s31;
	v0 =	vmov s18;
	s18 =	simm.s32 $0x2980;
	s10 =	sadd.s32 s5, s9  }
0xe: {  	s5 =	sadd.s32 $0x10200, s9;
	s14 =	ssub.s32 s14, s30;
	s9 =	smul.u32 $0x4E20, s13  }
0xf: {  	s11 =	sadd.s32 $0x25E00, s11;
	s13 =	sshrl.u32 @!p0 s1, $0x3;
	v3 =	vmov s23;
	s23 =	simm.s32 $0x0  }
0x10: {  	v1 =	vimm.f32 $0.0e+00;
	v2 =	vmov s24;
	s10 =	sadd.s32 $0xF36800, s10;
	s12 =	smax.u32 s14, $0x1;
	s14 =	simm.s32 $0x80  }
.LBB2_1:
0x11: {  	s24 =	simm.s32 @!p0 $0x1C02  }
0x12: {  	[spmem:s13], [sflag:s24] =	dma.local @!p0 [hbm:s8], $0x1000  }
0x13: {  	s25 =	sand.u32 $0xFE00, s2;
	s24 =	simm.s32 @!p0 $0x2  }
0x14: {  	s26 =	sand.u32 $0x30, s2;
	s25 =	sshrl.u32 s25, $0x2;
	_ =	swait.ge @!p0 [sflag:s24], $0x1000  }
0x15: {  	s26 =	sor.u32 s26, s25;
	[sflag:s24] =	ssyncset.done @!p0 $0x0  }
0x16: {  	s25 =	simm.s32 $0x0;
	[sflag:s24] =	ssyncadd.s32 @!p0 $0xFFFFF000;
	s24 =	simm.s32 $0x80  }
.LBB2_2:
0x17: {  	p1 =	sne.s32 s24, $0x9F80  }
0x18: {  	[tilespmem:s26+$0x79C0] =	vst v1;
	s25 =	sadd.s32 $0x10, s25;
	s26 =	smov.u32 s24;
	s24 =	sadd.s32 $0x80, s24  }
.Ltmp0:
0x19: {  	(pc) =	sbr.rel @p1 .LBB2_2-.Ltmp0, $4  }
0x1a: {  	_ = 	snop  }
0x1b: {  	s26 =	sand.u32 $0xFE00, s26  }
0x1c: {  	s28 =	sand.u32 $0x30, s25;
	s26 =	sshrl.u32 s26, $0x2  }
0x1d: {  	s26 =	sor.u32 s28, s26  }
0x1e: {  	[tilespmem:s26+$0x79C0] =	vst v1  }
0x1f: {  	s24 =	simm.s32 $0x0;
	s25 =	simm.s32 $0x0;
	[bflag:$0x0] =	sbarrier.arrive $0xFFFF  }
.LBB2_4:
0x20: {  	s26 =	smul.u32 $0x50, s25;
	_ =	sdelay $0x1  }
0x21: {  	s26 =	sadd.s32 s9, s26  }
0x22: {  	s28 =	sshrl.u32 s26, $0x3  }
0x23: {  	s29 =	sadd.s32 s5, s28  }
0x24: {  	[tilespmem:s24], [sflag:$0x1] =	stream.linear.gather [hbm4b:s29+s24], $0x50, $0x38;
	[tilespmem:$0xA980] =	vst v63  }
0x25: {  	s30 =	sadd.s32 s6, s28  }
0x26: {  	[tilespmem:s14], [sflag:$0x1] =	stream.linear.gather [hbm4b:s30+s24], $0x50, $0x38;
	[tilespmem:$0xA980] =	vst v63  }
0x27: {  	_ =	swait.ge [sflag:s15], $0x50  }
0x28: {  	[sflag:s15] =	ssyncset.done $0x0  }
0x29: {  	[sflag:s15] =	ssyncadd.s32 $0xFFFFFFB0  }
0x2a: {  	_ =	swait.ge [sflag:s15], $0x50  }
0x2b: {  	[sflag:s15] =	ssyncset.done $0x0  }
0x2c: {  	[sflag:s15] =	ssyncadd.s32 $0xFFFFFFB0  }
0x2d: {  	[tilespmem:s17], [sflag:$0x1] =	stream.indirect.gather [hbm4b:s3+s16], $0x80, s24, s16, $0xb8;
	[tilespmem:$0xA980] =	vst v63  }
0x2e: {  	s26 =	sshll.u32 s26, $0x4  }
0x2f: {  	[tilespmem:s18], [sflag:$0x1] =	stream.indirect.gather [hbm4b:s4+s16], $0x80, s14, s16, $0xb8;
	[tilespmem:$0xA980] =	vst v63  }
0x30: {  	s26 =	sadd.s32 s26, s10  }
0x31: {  	[tilespmem:s19], [sflag:$0x1] =	stream.linear.gather [hbm4b:s26+s24], $0x2800, $0x38;
	[tilespmem:$0xA980] =	vst v63  }
0x32: {  	s31 =	sadd.s32 s7, s28  }
0x33: {  	[tilespmem:s20], [sflag:$0x1] =	stream.linear.gather [hbm4b:s31+s24], $0x50, $0x38;
	[tilespmem:$0xA980] =	vst v63  }
0x34: {  	_ =	swait.ge [sflag:s15], $0x2800  }
0x35: {  	[sflag:s15] =	ssyncset.done $0x0  }
0x36: {  	[sflag:s15] =	ssyncadd.s32 $0xFFFFD800  }
0x37: {  	_ =	swait.ge [sflag:s15], $0x2800  }
0x38: {  	[sflag:s15] =	ssyncset.done $0x0  }
0x39: {  	[sflag:s15] =	ssyncadd.s32 $0xFFFFD800  }
0x3a: {  	_ =	swait.ge [sflag:s15], $0x2800  }
0x3b: {  	[sflag:s15] =	ssyncset.done $0x0  }
0x3c: {  	[sflag:s15] =	ssyncadd.s32 $0xFFFFD800  }
0x3d: {  	_ =	swait.ge [sflag:s15], $0x50  }
0x3e: {  	[sflag:s15] =	ssyncset.done $0x0  }
0x3f: {  	s26 =	simm.s32 $0x0;
	[sflag:s15] =	ssyncadd.s32 $0xFFFFFFB0  }
0x40: {  	v4 =	vld.idx.msk [tilespmem:v2+s26+$0x0 ss:$0x1], $0xffff  }
0x41: {  	v5 =	vld.idx.msk [tilespmem:v3+s26+$0x0 ss:$0x1], $0xffff;
	_ =	sdelay $0x1  }
0x42: {  	v6 =	vld [tilespmem:s26+$0x5180];
	_ =	sdelay $0x2  }
0x43: {  	v4 =	vadd.f32 v5, v4;
	_ =	sdelay $0x1  }
0x44: {  	v4 =	vadd.f32 v6, v4;
	_ =	sdelay $0x1  }
0x45: {  	v4 =	vmax.f32 v4, $0.0e+00  }
0x46: {  	[tilespmem:s26+$0x7980] =	vst v4  }
0x47: {  	v4 =	vld.idx.msk [tilespmem:v2+s26+$0x10 ss:$0x1], $0xffff  }
0x48: {  	v5 =	vld.idx.msk [tilespmem:v3+s26+$0x10 ss:$0x1], $0xffff;
	_ =	sdelay $0x1  }
0x49: {  	v6 =	vld [tilespmem:s26+$0x5190];
	_ =	sdelay $0x2  }
0x4a: {  	v4 =	vadd.f32 v5, v4;
	_ =	sdelay $0x1  }
0x4b: {  	v4 =	vadd.f32 v6, v4;
	_ =	sdelay $0x1  }
0x4c: {  	v4 =	vmax.f32 v4, $0.0e+00  }
0x4d: {  	[tilespmem:s26+$0x7990] =	vst v4  }
0x4e: {  	v4 =	vld.idx.msk [tilespmem:v2+s26+$0x20 ss:$0x1], $0xffff  }
0x4f: {  	v5 =	vld.idx.msk [tilespmem:v3+s26+$0x20 ss:$0x1], $0xffff;
	_ =	sdelay $0x1  }
0x50: {  	v6 =	vld [tilespmem:s26+$0x51A0];
	_ =	sdelay $0x2  }
0x51: {  	v4 =	vadd.f32 v5, v4;
	_ =	sdelay $0x1  }
0x52: {  	v4 =	vadd.f32 v6, v4;
	_ =	sdelay $0x1  }
0x53: {  	v4 =	vmax.f32 v4, $0.0e+00  }
0x54: {  	[tilespmem:s26+$0x79A0] =	vst v4  }
0x55: {  	v5 =	vld.idx.msk [tilespmem:v2+s26+$0x30 ss:$0x1], $0xffff  }
0x56: {  	v6 =	vld.idx.msk [tilespmem:v3+s26+$0x30 ss:$0x1], $0xffff;
	_ =	sdelay $0x1  }
0x57: {  	v4 =	vld [tilespmem:s26+$0x51B0];
	_ =	sdelay $0x2  }
0x58: {  	s28 =	simm.s32 $0x200;
	v5 =	vadd.f32 v6, v5  }
.LBB2_5:
0x59: {  	p1 =	sne.s32 s28, $0x9E00;
	s29 =	smov.u32 s28;
	s28 =	sadd.s32 $0x200, s28  }
0x5a: {  	v4 =	vadd.f32 v4, v5;
	_ =	sdelay $0x1  }
0x5b: {  	v4 =	vmax.f32 v4, $0.0e+00  }
0x5c: {  	[tilespmem:s26+$0x79B0] =	vst v4;
	s26 =	sshra.s32 s29, $0x2  }
0x5d: {  	v4 =	vld.idx.msk [tilespmem:v2+s26+$0x0 ss:$0x1], $0xffff  }
0x5e: {  	v5 =	vld.idx.msk [tilespmem:v3+s26+$0x0 ss:$0x1], $0xffff;
	_ =	sdelay $0x1  }
0x5f: {  	v6 =	vld [tilespmem:s26+$0x5180];
	_ =	sdelay $0x3  }
0x60: {  	v4 =	vadd.f32 v5, v4;
	_ =	sdelay $0x1  }
0x61: {  	v4 =	vadd.f32 v6, v4;
	_ =	sdelay $0x1  }
0x62: {  	v4 =	vmax.f32 v4, $0.0e+00  }
0x63: {  	[tilespmem:s26+$0x7980] =	vst v4  }
0x64: {  	v4 =	vld.idx.msk [tilespmem:v2+s26+$0x10 ss:$0x1], $0xffff  }
0x65: {  	v5 =	vld.idx.msk [tilespmem:v3+s26+$0x10 ss:$0x1], $0xffff  }
0x66: {  	v6 =	vld [tilespmem:s26+$0x5190];
	_ =	sdelay $0x4  }
0x67: {  	v4 =	vadd.f32 v5, v4;
	_ =	sdelay $0x1  }
0x68: {  	v4 =	vadd.f32 v6, v4;
	_ =	sdelay $0x1  }
0x69: {  	v4 =	vmax.f32 v4, $0.0e+00  }
0x6a: {  	[tilespmem:s26+$0x7990] =	vst v4;
	v4 =	vld [tilespmem:s26+$0x51A0]  }
0x6b: {  	v5 =	vld.idx.msk [tilespmem:v2+s26+$0x20 ss:$0x1], $0xffff  }
0x6c: {  	v6 =	vld.idx.msk [tilespmem:v3+s26+$0x20 ss:$0x1], $0xffff;
	_ =	sdelay $0x5  }
0x6d: {  	v5 =	vadd.f32 v6, v5;
	_ =	sdelay $0x1  }
0x6e: {  	v4 =	vadd.f32 v4, v5;
	_ =	sdelay $0x1  }
0x6f: {  	v4 =	vmax.f32 v4, $0.0e+00  }
0x70: {  	[tilespmem:s26+$0x79A0] =	vst v4;
	v4 =	vld [tilespmem:s26+$0x51B0]  }
0x71: {  	v5 =	vld.idx.msk [tilespmem:v2+s26+$0x30 ss:$0x1], $0xffff  }
0x72: {  	v6 =	vld.idx.msk [tilespmem:v3+s26+$0x30 ss:$0x1], $0xffff;
	_ =	sdelay $0x1  }
.Ltmp1:
0x73: {  	(pc) =	sbr.rel @p1 .LBB2_5-.Ltmp1, $2  }
0x74: {  	_ =	sdelay $0x2  }
0x75: {  	v5 =	vadd.f32 v6, v5  }
0x76: {  	_ = 	snop  }
0x77: {  	v4 =	vadd.f32 v4, v5;
	_ =	sdelay $0x1  }
0x78: {  	v4 =	vmax.f32 v4, $0.0e+00  }
0x79: {  	[tilespmem:s26+$0x79B0] =	vst v4  }
0x7a: {  	v4 =	vld [tilespmem:$0x100]  }
0x7b: {  	v5 =	vld [tilespmem:$0x110]  }
0x7c: {  	v6 =	vld [tilespmem:$0x120]  }
0x7d: {  	v7 =	vld [tilespmem:$0x130]  }
0x7e: {  	v8 =	vld [tilespmem:$0x140]  }
0x7f: {  	v4 =	vadd.s32 v0, v4  }
0x80: {  	[tilespmem:$0x100] =	vst v4;
	v4 =	vadd.s32 v0, v5  }
0x81: {  	[tilespmem:$0x110] =	vst v4;
	v4 =	vadd.s32 v0, v6  }
0x82: {  	s25 =	sadd.s32 $0x1, s25;
	[tilespmem:$0x120] =	vst v4;
	v4 =	vadd.s32 v0, v7  }
0x83: {  	p1 =	sne.s32 s25, $0xFA;
	[tilespmem:$0x130] =	vst v4;
	v4 =	vadd.s32 v0, v8  }
.Ltmp2:
0x84: {  	[tilespmem:$0x140] =	vst v4;
	(pc) =	sbr.rel @p1 .LBB2_4-.Ltmp2, $4  }
0x85: {  	[spmem:s1] =	stream.indirect.scatter.add.f32 [tilespmem:s21], [sflag:$0x2], $0x80, s20, s16, $0xb8;
	[tilespmem:$0xA980] =	vst v63  }
0x86: {  	_ =	swait.ge [sflag:s22], $0x2800  }
0x87: {  	[sflag:s22] =	ssyncset.done $0x0  }
0x88: {  	[sflag:s22] =	ssyncadd.s32 $0xFFFFD800  }
0x89: {  	[bflag:$0x0] =	sbarrier.arrive $0xFFFF;
	s24 =	simm.s32 @!p0 $0x1C02;
	s23 =	sadd.s32 $0x1, s23  }
0x8a: {  	[hbm:s11], [sflag:s24] =	dma.local @!p0 [spmem:s13], $0x1000  }
0x8b: {  	p1 =	sne.s32 s23, s12  }
.Ltmp3:
0x8c: {  	_ = 	snop;
	(pc) =	sbr.rel @p1 .LBB2_1-.Ltmp3, $4  }
0x8d: {  	s24 =	simm.s32 @!p0 $0x2  }
0x8e: {  	_ =	swait.ge @!p0 [sflag:s24], $0x1000  }
0x8f: {  	[sflag:s24] =	ssyncset.done @!p0 $0x0  }
0x90: {  	[sflag:s24] =	ssyncadd.s32 @!p0 $0xFFFFF000  }
0x91: {  	_ =	sfence.sel $0x180000  }
0x92: {  	[bflag:$0x0] =	sbarrier.arrive $0xFFFF  }
0x93: {  	_ =	strace $0x9000004A  }
0x94: {  	s0 =	sadd.s32 @!p0 $0x100000, s0;
	[bflag:$0x2] =	sbarrier.arrive $0xFFFF  }
0x95: {  	[sflag:s0] =	ssyncadd.tile.s32 @!p0 $0x1;
	_ =	shalt  }
.Lfunc_end2:
_tile_overlayer_lowered:
.L_overlay_start_2:
0x96: {  	(tag) =	ssettag $0x2  }
0x97: {  	s0 =	rddreg [dreg:$0x0];
	s2 =	stileid.u32  }
0x98: {  	s1 =	rddreg [dreg:$0x1];
	p0 =	sne.s32 s2, $0x0  }
0x99: {  	s3 =	rddreg [dreg:$0x2];
	[bflag:$0x3] =	sbarrier.arrive $0xFFFF;
	s2 =	simm.s32 @!p0 $0x1C02  }
0x9a: {  	[timem:s3], [sflag:s2] =	dma.local @!p0 [hbm:s0], s1  }
0x9b: {  	s0 =	simm.s32 @!p0 $0x2  }
0x9c: {  	_ =	swait.ge @!p0 [sflag:s0], s1  }
0x9d: {  	s1 =	ssub.s32 @!p0 $0x0, s1;
	[sflag:s0] =	ssyncset.done @!p0 $0x0  }
0x9e: {  	[sflag:s0] =	ssyncadd.s32 @!p0 s1  }
0x9f: {  	[bflag:$0x3] =	sbarrier.arrive $0xFFFF  }
0xa0: {  	_ =	shalt  }

// kernel: kernel.7.cloned.1.call-start
scs
__scs_entry_jumppad:
0x0: {  	(pc) =	sbr.rel $0x88, $3  }
0x1: {  	(tag) =	ssettag $0x0;
	lr =	simm.s32 $0x1  }
0x2: {  	[smem:$0x3F89] =	sst lr;
	_ =	strace $0xD0000000  }
0x3: {  	_ = 	snop  }
0x4: {  	_ = 	snop  }
0x5: {  	_ = 	snop  }
0x6: {  	_ = 	snop  }
0x7: {  	_ = 	snop  }
__scs_overlays_trampoline_lowered:
0x8: {  	[smem:$0x3F98] =	sst s0  }
0x9: {  	[smem:$0x3F99] =	sst s1  }
0xa: {  	[smem:$0x3F9A] =	sst s2  }
0xb: {  	[smem:$0x3F9B] =	sst s3  }
0xc: {  	[smem:$0x3F9C] =	sst s4  }
0xd: {  	[smem:$0x3F9D] =	sst s5  }
0xe: {  	[smem:$0x3F9E] =	sst s6  }
0xf: {  	[smem:$0x3F9F] =	sst s7  }
0x10: {  	[smem:$0x3FA0] =	sst s8  }
0x11: {  	[smem:$0x3FA1] =	sst s9;
	s0 =	simm.s32 @!p0 $0x0  }
0x12: {  	s1 =	sld [smem:$0x3F87];
	s0 =	simm.s32 @p0 $0x1  }
0x13: {  	[smem:$0x3FA2] =	sst s0;
	s0 =	simm.s32 @!p1 $0x0  }
0x14: {  	s2 =	sld [smem:$0x3F86];
	s0 =	simm.s32 @p1 $0x1  }
0x15: {  	[smem:$0x3FA3] =	sst s0;
	s0 =	simm.s32 @!p2 $0x0  }
0x16: {  	s3 =	sld [smem:$0x3FDB];
	s0 =	simm.s32 @p2 $0x1  }
0x17: {  	s4 =	simm.s32 $0x1BF5;
	[smem:$0x3FA5] =	sst s0  }
0x18: {  	s0 =	sld [smem:$0x3F88];
	_ =	swait.ge [sflag:s4], $0x0  }
0x19: {  	s7 =	sld [smem:$0x3F89]  }
0x1a: {  	s8 =	sadd.s32 $0xFFFFE003, lr  }
0x1b: {  	s9 =	sadd.s32 $0xFFFFFEF7, lr;
	s5 =	simm.s32 $0xFFFFFFFF;
	p2 =	slt.u32 s8, $0xFFFFF086  }
0x1c: {  	p1 =	slt.u32 s9, $0xF7A;
	s5 =	simm.s32 @!p2 $0x0  }
0x1d: {  	s5 =	simm.s32 @p1 $0x1;
	p0 =	seq.s32 s7, s2  }
0x1e: {  	s7 =	smul.u32 @!p0 $0xF7A, s2;
	p2 =	seq.s32 @!p0 s5, $0x0  }
0x1f: {  	s9 =	smul.u32 $0xF7A, s1;
	s8 =	simm.s32 @!p0 $0x1BF5;
	p2 =	por !p2, p0  }
0x20: {  	[sflag:s8] =	ssyncset.s32 @!p0 $0xFFFFF086;
	s6 =	sadd.s32 @!p0 s3, s7;
	s7 =	simm.s32 @!p0 $0x108  }
0x21: {  	s3 =	sadd.s32 s3, s9;
	s6 =	sadd.s32 @!p0 $0x88, s6;
	s7 =	simm.s32 @p2 $0x1082  }
0x22: {  	[simem:s7], [sflag:s8] =	dma.local @!p0 [hbm:s6], $0xF7A  }
0x23: {  	s9 =	sor.u32 $0xD0000000, s2;
	s6 =	simm.s32 $0x108;
	_ =	swait.ge @!p0 [sflag:s8], $0x0  }
0x24: {  	s3 =	sadd.s32 $0x88, s3;
	s6 =	simm.s32 @!p1 $0x1082;
	[sflag:s4] =	ssyncset.s32 $0xFFFFF086  }
0x25: {  	[simem:s6], [sflag:s4] =	dma.local [hbm:s3], $0xF7A  }
0x26: {  	[smem:$0x3F89] =	sst s1;
	(tag) =	ssettag s2;
	_ =	strace s9  }
0x27: {  	s1 =	sld [smem:$0x3F99]  }
0x28: {  	s2 =	sld [smem:$0x3F9A]  }
0x29: {  	s4 =	sld [smem:$0x3F9C]  }
0x2a: {  	p0 =	seq.s32 s5, $0x0;
	s5 =	sld [smem:$0x3F9D]  }
0x2b: {  	s6 =	sld [smem:$0x3F9E]  }
0x2c: {  	s7 =	sld [smem:$0x3F9F]  }
0x2d: {  	s3 =	simm.s32 $0x108;
	s8 =	sld [smem:$0x3FA0]  }
0x2e: {  	s3 =	simm.s32 @!p0 $0x1082;
	s9 =	sld [smem:$0x3FA1]  }
0x2f: {  	lr =	sadd.s32 s0, s3;
	s0 =	sld [smem:$0x3F98]  }
0x30: {  	s3 =	sld [smem:$0x3F9B]  }
0x31: {  	[smem:$0x3FA4] =	sst s10  }
0x32: {  	s10 =	sld [smem:$0x3FA2];
	_ =	sdelay $0x3  }
0x33: {  	p0 =	seq.s32 s10, $0x1;
	s10 =	sld [smem:$0x3FA4];
	_ =	sdelay $0x3  }
0x34: {  	[smem:$0x3FA4] =	sst s10  }
0x35: {  	s10 =	sld [smem:$0x3FA3];
	_ =	sdelay $0x3  }
0x36: {  	p1 =	seq.s32 s10, $0x1;
	s10 =	sld [smem:$0x3FA4];
	_ =	sdelay $0x3  }
0x37: {  	[smem:$0x3FA4] =	sst s10  }
0x38: {  	s10 =	sld [smem:$0x3FA5]  }
0x39: {  	_ = 	snop;
	(pc) =	sbr.ind lr, $3  }
0x3a: {  	_ = 	snop  }
0x3b: {  	_ = 	snop  }
0x3c: {  	p2 =	seq.s32 s10, $0x1;
	s10 =	sld [smem:$0x3FA4]  }
0x3d: {  	_ =	shalt  }
0x3e: {  	_ =	shalt  }
0x3f: {  	_ =	shalt  }
0x40: {  	_ =	shalt  }
0x41: {  	_ =	shalt  }
0x42: {  	_ =	shalt  }
0x43: {  	_ =	shalt  }
0x44: {  	_ =	shalt  }
0x45: {  	_ =	shalt  }
0x46: {  	_ =	shalt  }
0x47: {  	_ =	shalt  }
0x48: {  	_ =	shalt  }
0x49: {  	_ =	shalt  }
0x4a: {  	_ =	shalt  }
0x4b: {  	_ =	shalt  }
0x4c: {  	_ =	shalt  }
0x4d: {  	_ =	shalt  }
0x4e: {  	_ =	shalt  }
0x4f: {  	_ =	shalt  }
0x50: {  	_ =	shalt  }
0x51: {  	_ =	shalt  }
0x52: {  	_ =	shalt  }
0x53: {  	_ =	shalt  }
0x54: {  	_ =	shalt  }
0x55: {  	_ =	shalt  }
0x56: {  	_ =	shalt  }
0x57: {  	_ =	shalt  }
0x58: {  	_ =	shalt  }
0x59: {  	_ =	shalt  }
0x5a: {  	_ =	shalt  }
0x5b: {  	_ =	shalt  }
0x5c: {  	_ =	shalt  }
0x5d: {  	_ =	shalt  }
0x5e: {  	_ =	shalt  }
0x5f: {  	_ =	shalt  }
0x60: {  	_ =	shalt  }
0x61: {  	_ =	shalt  }
0x62: {  	_ =	shalt  }
0x63: {  	_ =	shalt  }
0x64: {  	_ =	shalt  }
0x65: {  	_ =	shalt  }
0x66: {  	_ =	shalt  }
0x67: {  	_ =	shalt  }
0x68: {  	_ =	shalt  }
0x69: {  	_ =	shalt  }
0x6a: {  	_ =	shalt  }
0x6b: {  	_ =	shalt  }
0x6c: {  	_ =	shalt  }
0x6d: {  	_ =	shalt  }
0x6e: {  	_ =	shalt  }
0x6f: {  	_ =	shalt  }
0x70: {  	_ =	shalt  }
0x71: {  	_ =	shalt  }
0x72: {  	_ =	shalt  }
0x73: {  	_ =	shalt  }
0x74: {  	_ =	shalt  }
0x75: {  	_ =	shalt  }
0x76: {  	_ =	shalt  }
0x77: {  	_ =	shalt  }
0x78: {  	_ =	shalt  }
0x79: {  	_ =	shalt  }
0x7a: {  	_ =	shalt  }
0x7b: {  	_ =	shalt  }
0x7c: {  	_ =	shalt  }
0x7d: {  	_ =	shalt  }
0x7e: {  	_ =	shalt  }
0x7f: {  	_ =	shalt  }
0x80: {  	_ =	shalt  }
0x81: {  	_ =	shalt  }
0x82: {  	_ =	shalt  }
0x83: {  	_ =	shalt  }
0x84: {  	_ =	shalt  }
0x85: {  	_ =	shalt  }
0x86: {  	_ =	shalt  }
0x87: {  	_ =	shalt  }
.Lfunc_end0:
.L_simem_size_0:
called_computation.1_lowered:
.L_overlay_start_0:
0x88: {  	s2 =	sld [smem:$0x3FD9]  }
0x89: {  	s3 =	sld [smem:$0x3FFE];
	_ =	sdelay $0x1  }
0x8a: {  	s1 =	srdreg.scid  }
0x8b: {  	s0 =	sand.u32 $0x1, s1  }
0x8c: {  	s16 =	sshll.u32 s0, $0xA;
	s2 =	sadd.s32 s3, s2  }
0x8d: {  	s2 =	sadd.s32 s2, s16  }
0x8e: {  	[smem:$0x3FB0] =	sst s2  }
0x8f: {  	_ = 	snop  }
0x90: {  	(tm) =	ssettm $0x1  }
0x91: {  	s17 =	sld [smem:$0x3FFB];
	_ =	sdelay $0x3  }
0x92: {  	_ =	strace s17  }
0x93: {  	s2 =	sld [smem:$0x3FFC];
	_ =	sdelay $0x3  }
0x94: {  	_ =	strace s2  }
0x95: {  	s2 =	sld [smem:$0x3FFD];
	_ =	sdelay $0x3  }
0x96: {  	_ =	strace s2  }
0x97: {  	_ =	strace $0x8FFFFFFF  }
0x98: {  	s18 =	sld [smem:$0x3FDB];
	_ =	sdelay $0x1  }
0x99: {  	s19 =	simm.s32 $_scs_section_size  }
0x9a: {  	s4 =	simm.s32 $_size__tile_overlayer_lowered;
	s5 =	simm.s32 $_tile_overlayer_lowered  }
0x9b: {  	s22 =	simm.s32 $0x1BFF;
	s21 =	sshll.u32 s5, $0x1;
	s2 =	sadd.s32 s19, s18  }
0x9c: {  	s6 =	simm.s32 $0x0;
	s20 =	sshll.u32 s4, $0x1;
	s4 =	sadd.s32 s21, s2  }
0x9d: {  	[timem:s6], [sflag:s22] =	dma.local [hbm:s4], s20  }
0x9e: {  	_ =	swait.ge [sflag:s22], s20  }
0x9f: {  	s3 =	ssub.s32 $0x0, s20;
	[sflag:s22] =	ssyncset.done $0x0  }
0xa0: {  	[sflag:s22] =	ssyncadd.s32 s3;
	_ =	sdelay $0x1  }
0xa1: {  	s23 =	simm.s32 $0x1B8B  }
0xa2: {  	_ =	swait.ge [sflag:s23], $0x1  }
0xa3: {  	[sflag:s23] =	ssyncset.done $0x0  }
0xa4: {  	s25 =	simm.s32 $0x1B8E;
	s24 =	sld [smem:$0x3FFE];
	[sflag:s23] =	ssyncadd.s32 $0xFFFFFFFF  }
0xa5: {  	s26 =	simm.s32 $execute0_lowered;
	[smem:$0x3FD2] =	sst s25  }
0xa6: {  	s4 =	sshll.u32 s26, $0x1;
	_ =	strace $0x80000046;
	[dreg:$0x1] =	wrdreg $0xFFFFFFFF  }
0xa7: {  	s28 =	simm.s32 $_size_execute0_lowered;
	s2 =	sadd.s32 s2, s4;
	[dreg:$0x0] =	wrdreg $0x0  }
0xa8: {  	s4 =	sshll.u32 s28, $0x1;
	[dreg:$0x2] =	wrdreg s2  }
0xa9: {  	[dreg:$0x3] =	wrdreg s4  }
0xaa: {  	[dreg:$0x4] =	wrdreg $0xC0  }
0xab: {  	_ =	task [dreg:s6], $0x5FFFF  }
0xac: {  	[dreg:$0x1] =	wrdreg $0xFFFFFFFF  }
0xad: {  	[dreg:$0x0] =	wrdreg $0x60  }
0xae: {  	[dreg:$0x2] =	wrdreg s24  }
0xaf: {  	[dreg:$0x3] =	wrdreg $0x28800  }
0xb0: {  	[dreg:$0x4] =	wrdreg $0x9  }
0xb1: {  	_ =	task.clear_ibuf [dreg:s6], $0x5FFFF;
	_ =	strace $0x90000046  }
0xb2: {  	s29 =	simm.s32 $0x9;
	_ =	strace $0x80000048  }
0xb3: {  	_ =	swait.ge [sflag:s29], $0x1  }
0xb4: {  	[sflag:s29] =	ssyncadd.s32 $0xFFFFFFFF  }
0xb5: {  	_ =	strace $0x90000048  }
0xb6: {  	_ =	sfence  }
0xb7: {  	s30 =	sld [smem:$0x0];
	_ =	sdelay $0x2  }
0xb8: {  	s31 =	sshll.u32 s1, $0xD;
	s1 =	sshrl.u32 s1, $0x2  }
0xb9: {  	s3 =	sand.u32 $0x4000, s31;
	s1 =	sadd.s32 s1, s30  }
0xba: {  	s0 =	sor.u32 s3, s0;
	s1 =	sshll.u32 s1, $0x11  }
0xbb: {  	s0 =	sor.u32 s1, s0  }
0xbc: {  	s0 =	sadd.s32 $0x8F2B, s0  }
0xbd: {  	[sflag:s0] =	ssyncadd.remote.s32 $0x1  }
0xbe: {  	_ =	sfence.sel $0xFFFF  }
0xbf: {  	[dreg:$0x0] =	wrdreg $0xFFFFFFFF;
	(pc) =	sbr.abs _section_cstart, $3  }
0xc0: {  	[dreg:$0x1] =	wrdreg $0xFFFFFFFF  }
0xc1: {  	_ =	task.clear_ibuf [dreg:s6], $0x2FFFF;
	_ =	strace $0x9FFFFFFF  }
0xc2: {  	(tm) =	ssettm $0x7FFFFFFF  }
0xc3: {  	_ =	shalt  }
tec
execute0_lowered:
.L_overlay_start_1:
0x0: {  	(tag) =	ssettag $0x1  }
0x1: {  	s3 =	rddreg [dreg:$0x0]  }
0x2: {  	s1 =	rddreg [dreg:$0x1];
	s2 =	srdreg.scid  }
0x3: {  	s0 =	rddreg [dreg:$0x2];
	s6 =	stileid.u32;
	s9 =	simm.s32 $0x0  }
0x4: {  	s4 =	sand.u32 $0x1, s2;
	s2 =	simm.s32 $0x0;
	s7 =	smul.u32 $0x2710, s6  }
0x5: {  	p0 =	sne.s32 s6, $0x0;
	s6 =	simm.s32 $0x1;
	s5 =	smul.u32 $0x27100, s4  }
0x6: {  	[smem:$0x7FF] =	sst s2;
	s8 =	ssub.s32 $0x2, s4;
	s4 =	sshll.u32 s4, $0x4  }
0x7: {  	_ =	strace $0x80000047;
	s31 =	sshrl.u32 s8, $0x1;
	s5 =	sadd.s32 s7, s5  }
0x8: {  	s4 =	sadd.s32 s4, s3;
	s7 =	ssub.s32 s8, s31;
	s5 =	sshrl.u32 s5, $0x3  }
0x9: {  	s8 =	simm.s32 $0x80;
	s5 =	sadd.s32 s5, s3;
	s3 =	sadd.s32 $0x1A000, s4  }
0xa: {  	v0 =	vimm.f32 $1.000000000e+00;
	v1 =	vimm.f32 $0.0e+00;
	s4 =	smax.u32 s7, $0x1;
	s7 =	simm.s32 $0x50;
	s5 =	sadd.s32 $0x10200, s5  }
.LBB2_1:
0xb: {  	[tilespmem:$0x80] =	vst v0  }
0xc: {  	[tilespmem:$0x90] =	vst v0  }
0xd: {  	[tilespmem:$0xA0] =	vst v0  }
0xe: {  	[tilespmem:$0xB0] =	vst v0  }
0xf: {  	[tilespmem:$0xC0] =	vst v0;
	s10 =	simm.s32 $0x40;
	s11 =	simm.s32 $0x0  }
.LBB2_2:
0x10: {  	p1 =	sne.s32 s10, $0x9C00;
	[tilespmem:s11+$0x100] =	vst v1;
	s11 =	smov.u32 s10;
	s10 =	sadd.s32 $0x40, s10  }
.Ltmp0:
0x11: {  	(pc) =	sbr.rel @p1 .LBB2_2-.Ltmp0, $2  }
0x12: {  	_ =	sdelay $0x2  }
0x13: {  	s11 =	sshra.s32 s11, $0x2  }
0x14: {  	[tilespmem:s11+$0x100] =	vst v1;
	s10 =	simm.s32 @!p0 $0x100  }
0x15: {  	[spmem:s1] =	stream.linear.scatter @!p0 [tilespmem:s10], [sflag:$0x1], $0x2780, $0x38;
	[tilespmem:$0x2AF8] =	vst v63  }
0x16: {  	s10 =	simm.s32 @!p0 $0x1  }
0x17: {  	_ =	swait.ge @!p0 [sflag:s10], $0x2780  }
0x18: {  	[sflag:s10] =	ssyncset.done @!p0 $0x0  }
0x19: {  	[sflag:s10] =	ssyncadd.s32 @!p0 $0xFFFFD880  }
0x1a: {  	s31 =	sadd.s32 $0x0, s5;
	[bflag:$0x0] =	sbarrier.arrive $0xFFFF  }
0x1b: {  	[tilespmem:s2], [sflag:$0x1] =	stream.linear.gather [hbm4b:s31+s2], $0x50, $0x38;
	[tilespmem:$0x2AF8] =	vst v63  }
0x1c: {  	_ =	swait.ge [sflag:s6], $0x50  }
0x1d: {  	[sflag:s6] =	ssyncset.done $0x0  }
0x1e: {  	[sflag:s6] =	ssyncadd.s32 $0xFFFFFFB0  }
0x1f: {  	[spmem:s1] =	stream.indirect.scatter.add.f32 [tilespmem:s8], [sflag:$0x1], $0x1, s2, s7, $0xb8;
	[tilespmem:$0x2AF8] =	vst v63  }
0x20: {  	_ =	swait.ge [sflag:s6], $0x50  }
0x21: {  	s11 =	simm.s32 $0x14;
	s10 =	simm.s32 $0xA;
	[sflag:s6] =	ssyncset.done $0x0  }
.LBB2_4:
0x22: {  	s12 =	sadd.s32 s10, s5  }
0x23: {  	[sflag:s6] =	ssyncadd.s32 $0xFFFFFFB0;
	s10 =	smov.u32 s11;
	s13 =	sadd.s32 $0xA, s11  }
0x24: {  	[tilespmem:s2], [sflag:$0x1] =	stream.linear.gather [hbm4b:s12+s2], $0x50, $0x38;
	[tilespmem:$0x2AF8] =	vst v63  }
0x25: {  	p1 =	sne.s32 s11, $0x4D8;
	_ =	swait.ge [sflag:s6], $0x50  }
.Ltmp1:
0x26: {  	[sflag:s6] =	ssyncset.done $0x0;
	(pc) =	sbr.rel @p1 .LBB2_4-.Ltmp1, $4  }
0x27: {  	[sflag:s6] =	ssyncadd.s32 $0xFFFFFFB0  }
0x28: {  	[spmem:s1] =	stream.indirect.scatter.add.f32 [tilespmem:s8], [sflag:$0x1], $0x1, s2, s7, $0xb8;
	[tilespmem:$0x2AF8] =	vst v63  }
0x29: {  	_ =	swait.ge [sflag:s6], $0x50  }
0x2a: {  	s11 =	smov.u32 s13;
	[sflag:s6] =	ssyncset.done $0x0  }
0x2b: {  	s10 =	sadd.s32 s10, s5;
	[sflag:s6] =	ssyncadd.s32 $0xFFFFFFB0  }
0x2c: {  	[tilespmem:s2], [sflag:$0x1] =	stream.linear.gather [hbm4b:s10+s2], $0x50, $0x38;
	[tilespmem:$0x2AF8] =	vst v63  }
0x2d: {  	_ =	swait.ge [sflag:s6], $0x50  }
0x2e: {  	[sflag:s6] =	ssyncset.done $0x0  }
0x2f: {  	[sflag:s6] =	ssyncadd.s32 $0xFFFFFFB0  }
0x30: {  	[spmem:s1] =	stream.indirect.scatter.add.f32 [tilespmem:s8], [sflag:$0x1], $0x1, s2, s7, $0xb8;
	[tilespmem:$0x2AF8] =	vst v63  }
0x31: {  	_ =	swait.ge [sflag:s6], $0x50  }
0x32: {  	[sflag:s6] =	ssyncset.done $0x0  }
0x33: {  	[sflag:s6] =	ssyncadd.s32 $0xFFFFFFB0  }
0x34: {  	s11 =	simm.s32 @!p0 $0x1;
	s10 =	simm.s32 @!p0 $0x100;
	[bflag:$0x0] =	sbarrier.arrive $0xFFFF  }
0x35: {  	[tilespmem:s10], [sflag:$0x1] =	stream.linear.gather @!p0 [spmem:s1], $0x2780, $0x38;
	[tilespmem:$0x2AF8] =	vst v63  }
0x36: {  	s9 =	sadd.s32 $0x1, s9;
	_ =	swait.ge @!p0 [sflag:s11], $0x2780  }
0x37: {  	p1 =	sne.s32 s9, s4;
	[sflag:s11] =	ssyncset.done @!p0 $0x0  }
.Ltmp2:
0x38: {  	s12 =	simm.s32 @!p0 $0x80;
	[sflag:s11] =	ssyncadd.s32 @!p0 $0xFFFFD880;
	(pc) =	sbr.rel @p1 .LBB2_1-.Ltmp2, $4  }
0x39: {  	[hbm4b:s3+s12] =	stream.strided.scatter @!p0 [tilespmem:s10], [sflag:$0x1], $0x2780, s10, s12, $0x38;
	[tilespmem:$0x2AF8] =	vst v63  }
0x3a: {  	_ =	swait.ge @!p0 [sflag:s11], $0x2780  }
0x3b: {  	[sflag:s11] =	ssyncset.done @!p0 $0x0  }
0x3c: {  	[sflag:s11] =	ssyncadd.s32 @!p0 $0xFFFFD880  }
0x3d: {  	_ =	sfence.sel $0x180000  }
0x3e: {  	[bflag:$0x0] =	sbarrier.arrive $0xFFFF  }
0x3f: {  	_ =	strace $0x90000047  }
0x40: {  	s0 =	sadd.s32 @!p0 $0x100000, s0;
	[bflag:$0x2] =	sbarrier.arrive $0xFFFF  }
0x41: {  	[sflag:s0] =	ssyncadd.tile.s32 @!p0 $0x1;
	_ =	shalt  }
.Lfunc_end2:
_tile_overlayer_lowered:
.L_overlay_start_2:
0x42: {  	(tag) =	ssettag $0x2  }
0x43: {  	s0 =	rddreg [dreg:$0x0];
	s2 =	stileid.u32  }
0x44: {  	s1 =	rddreg [dreg:$0x1];
	p0 =	sne.s32 s2, $0x0  }
0x45: {  	s3 =	rddreg [dreg:$0x2];
	[bflag:$0x3] =	sbarrier.arrive $0xFFFF;
	s2 =	simm.s32 @!p0 $0x1C01  }
0x46: {  	[timem:s3], [sflag:s2] =	dma.local @!p0 [hbm:s0], s1  }
0x47: {  	s0 =	simm.s32 @!p0 $0x1  }
0x48: {  	_ =	swait.ge @!p0 [sflag:s0], s1  }
0x49: {  	s1 =	ssub.s32 @!p0 $0x0, s1;
	[sflag:s0] =	ssyncset.done @!p0 $0x0  }
0x4a: {  	[sflag:s0] =	ssyncadd.s32 @!p0 s1  }
0x4b: {  	[bflag:$0x3] =	sbarrier.arrive $0xFFFF  }
0x4c: {  	_ =	shalt  }

</sc_bundles>
